<compile_context>
chip_gen: v7x
topology: tpu7x:2x2x1
jax: 0.10.2.dev20260603
libtpu: 0.0.44.dev20260713+nightly
codegen_flags: <defaults>
</compile_context>

<pallas_src>
import functools

import numpy as np
import jax
import jax.numpy as jnp
from jax import lax
from jax.experimental import pallas as pl
from jax.experimental.pallas import tpu as pltpu
from jax.experimental.pallas import tpu_sc as plsc

_B, _S, _D, _V = 1024, 200, 128, 1000
_NC, _NS = 2, 16
_NW = _NC * _NS
_N = _B * _S
_SENT_PER_W = _B // _NW
_HALF = _S // 2
_NBUF = 3


def _pos_encoding_np():
    pos = np.arange(_S)[:, None].astype(np.float32)
    i = np.arange(_D)[None, :].astype(np.float32)
    angle_rates = 1.0 / np.power(10000.0, (2.0 * np.floor(i / 2.0)) / _D)
    angles = pos * angle_rates
    pe = np.zeros((_S, _D), dtype=np.float32)
    pe[:, 0::2] = np.sin(angles[:, 0::2])
    pe[:, 1::2] = np.cos(angles[:, 1::2])
    return pe


_PE_NP = _pos_encoding_np()

_mesh = plsc.VectorSubcoreMesh(core_axis_name="c", subcore_axis_name="s")


@functools.partial(
    pl.kernel,
    out_type=jax.ShapeDtypeStruct((_N, _D), jnp.float32),
    mesh=_mesh,
    scratch_types=[
        pltpu.VMEM_SHARED((_V, _D), jnp.float32),
        pltpu.VMEM((_S, _D), jnp.float32),
        pltpu.VMEM((2 * _SENT_PER_W, _HALF), jnp.int32),
        pltpu.VMEM((_NBUF, _S, _D), jnp.float32),
        pltpu.SemaphoreType.DMA,
        pltpu.SemaphoreType.DMA,
        pltpu.SemaphoreType.DMA,
        pltpu.SemaphoreType.DMA,
    ],
)
def _emb(table_hbm, x_hbm, pe_hbm, out_hbm, tab_s, pe_v, idx_v, rows_v,
         gsem0, gsem1, isem, osem):
    sid = lax.axis_index("s")
    wid = sid * _NC + lax.axis_index("c")
    sent0 = wid * _SENT_PER_W

    @pl.when(sid < 7)
    def _():
        pltpu.sync_copy(table_hbm.at[pl.ds(sid * 128, 128)],
                        tab_s.at[pl.ds(sid * 128, 128)])

    @pl.when(sid == 7)
    def _():
        pltpu.sync_copy(table_hbm.at[pl.ds(896, 104)],
                        tab_s.at[pl.ds(896, 104)])

    pltpu.async_copy(x_hbm.at[pl.ds(sent0 * 2, 2 * _SENT_PER_W)], idx_v,
                     isem)
    pltpu.sync_copy(pe_hbm, pe_v)
    pltpu.make_async_copy(x_hbm.at[pl.ds(sent0 * 2, 2 * _SENT_PER_W)],
                          idx_v, isem).wait()
    plsc.subcore_barrier()

    def start_gather(sent, slot, sem):
        for h in range(2):
            pltpu.async_copy(
                tab_s.at[idx_v.at[2 * sent + h]],
                rows_v.at[slot, pl.ds(h * _HALF, _HALF)],
                sem)

    def wait_gather(sent, slot, sem):
        for h in range(2):
            pltpu.make_async_copy(
                tab_s.at[idx_v.at[2 * sent + h]],
                rows_v.at[slot, pl.ds(h * _HALF, _HALF)],
                sem).wait()

    start_gather(0, 0, gsem0)
    start_gather(1, 1, gsem1)

    def body(j, carry):
        buf = j % _NBUF

        @pl.when(j % 2 == 0)
        def _():
            wait_gather(j, buf, gsem0)

        @pl.when(j % 2 == 1)
        def _():
            wait_gather(j, buf, gsem1)

        @pl.when(j >= 1)
        def _():
            pltpu.make_async_copy(rows_v.at[0], out_hbm.at[pl.ds(0, _S)],
                                  osem).wait()

        @pl.when(j + 2 < _SENT_PER_W)
        def _():
            nb = (j + 2) % _NBUF

            @pl.when(j % 2 == 0)
            def _():
                start_gather(j + 2, nb, gsem0)

            @pl.when(j % 2 == 1)
            def _():
                start_gather(j + 2, nb, gsem1)

        @plsc.parallel_loop(0, _S, unroll=4)
        def _(r):
            for c in range(_D // 16):
                sl = pl.ds(c * 16, 16)
                plsc.addupdate(rows_v.at[buf, r, sl], pe_v[r, sl])

        pltpu.async_copy(rows_v.at[buf],
                         out_hbm.at[pl.ds((sent0 + j) * _S, _S)], osem)
        return carry

    lax.fori_loop(0, _SENT_PER_W, body, 0)
    pltpu.make_async_copy(rows_v.at[0], out_hbm.at[pl.ds(0, _S)],
                          osem).wait()


def kernel(x, table):
    xf = x.reshape(_N).astype(jnp.int32).reshape(_N // _HALF, _HALF)
    pe = jnp.asarray(_PE_NP)
    out = _emb(table, xf, pe)
    return out.reshape(_B, _S, _D)

# --- scband reference (transcript-rebuilt; emitter-appended) ---
"""Pipeline reference for scband-sentence-embedding-3169685865102 (READ-ONLY COPY).

The authoritative reference and input builder live on the scoring server;
editing this copy changes nothing except your own understanding.
"""

import jax, jax.numpy as jnp
import numpy as np

B, S, D, V = 1024, 200, 128, 1000

def _pos_encoding(seq_len, d_model):
    pos = np.arange(seq_len)[:, None].astype(np.float32)
    i = np.arange(d_model)[None, :].astype(np.float32)
    angle_rates = 1.0 / np.power(10000.0, (2.0 * (np.floor(i / 2.0))) / d_model)
    angles = pos * angle_rates
    pe = np.zeros((seq_len, d_model), dtype=np.float32)
    pe[:, 0::2] = np.sin(angles[:, 0::2])
    pe[:, 1::2] = np.cos(angles[:, 1::2])
    return jnp.asarray(pe)

def setup_inputs(seed: int = 0) -> dict:
    key = jax.random.key(seed)
    k1, k2 = jax.random.split(key)
    x = jax.random.randint(k1, (B, S), 0, V)
    table = jax.random.normal(k2, (V, D), dtype=jnp.float32)
    return {"x": x, "table": table}

def reference(x, table):
    # y = embedding(x)
    y = jnp.take(table, x, axis=0)
    # y += pos_encoding()  (sinusoidal, broadcast over batch)
    pe = _pos_encoding(S, D)
    y = y + pe[None, :, :]
    # dropout(p=0.1) is identity in eval mode
    return y

if __name__ == "__main__":
    import jax
    _d = setup_inputs()
    print(jax.jit(kernel)(*tuple(_d.values())))

</pallas_src>

<mosaic_0001>
#map = affine_map<(d0, d1) -> (0, 0)>
module attributes {stable_mosaic.version = 14 : i64} {
  func.func @_emb(%arg0: i32, %arg1: i32, %arg2: memref<1000x128xf32, #tpu.memory_space<hbm>>, %arg3: memref<2048x100xi32, #tpu.memory_space<hbm>>, %arg4: memref<200x128xf32, #tpu.memory_space<hbm>>, %arg5: memref<204800x128xf32, #tpu.memory_space<hbm>>, %arg6: memref<1000x128xf32, #tpu.memory_space<vmem_shared>>, %arg7: memref<200x128xf32, #tpu.memory_space<vmem>>, %arg8: memref<64x100xi32, #tpu.memory_space<vmem>>, %arg9: memref<3x200x128xf32, #tpu.memory_space<vmem>>, %arg10: memref<!tpu.dma_semaphore, #tpu.memory_space<semaphore_mem>>, %arg11: memref<!tpu.dma_semaphore, #tpu.memory_space<semaphore_mem>>, %arg12: memref<!tpu.dma_semaphore, #tpu.memory_space<semaphore_mem>>, %arg13: memref<!tpu.dma_semaphore, #tpu.memory_space<semaphore_mem>>) attributes {dimension_semantics = [#tpu.dimension_semantics<core_parallel>, #tpu.dimension_semantics<subcore_parallel>], iteration_bounds = array<i64: 2, 16>, scalar_prefetch = 0 : i64, scratch_operands = 8 : i64, tpu.core_type = #tpu.core_type<sc_vector_subcore>, window_params = [{transform_indices = #map}, {transform_indices = #map}, {transform_indices = #map}, {transform_indices = #map}]} {
    %mul3A = arith.constant 2 : i32
    %mul3A_0 = arith.muli %arg1, %mul3A : i32
    %add3A = arith.addi %mul3A_0, %arg0 : i32
    %mul3A_1 = arith.constant 32 : i32
    %mul3A_2 = arith.muli %add3A, %mul3A_1 : i32
    %lt3A = arith.constant 7 : i32
    %lt3A_3 = arith.cmpi slt, %arg1, %lt3A : i32
    %convert_element_type3A = arith.extui %lt3A_3 : i1 to i32
    %cond3A = arith.constant 0 : i32
    %cond3A_4 = arith.cmpi ne, %convert_element_type3A, %cond3A : i32
    scf.if %cond3A_4 {
      %mul3A_87 = arith.constant 128 : i32
      %mul3A_88 = arith.muli %arg1, %mul3A_87 : i32
      %mul3A_89 = arith.constant 128 : i32
      %mul3A_90 = arith.muli %arg1, %mul3A_89 : i32
      "tpu.region"() ({
        %run_scoped3A = tpu.sem_alloc : memref<!tpu.dma_semaphore, #tpu.memory_space<semaphore_mem>>
        %dma_start3A_91 = arith.constant 0 : i32
        %dma_start3A_92 = tpu.memref_slice %arg6[%mul3A_90, %dma_start3A_91] : memref<1000x128xf32, #tpu.memory_space<vmem_shared>> -> memref<128x128xf32, #tpu.memory_space<vmem_shared>>
        %dma_start3A_93 = arith.constant 0 : i32
        %dma_start3A_94 = tpu.memref_slice %arg2[%mul3A_88, %dma_start3A_93] : memref<1000x128xf32, #tpu.memory_space<hbm>> -> memref<128x128xf32, #tpu.memory_space<hbm>>
        tpu.enqueue_dma source(%dma_start3A_94 : memref<128x128xf32, #tpu.memory_space<hbm>>) target(%dma_start3A_92 : memref<128x128xf32, #tpu.memory_space<vmem_shared>>) target_semaphore(%run_scoped3A : memref<!tpu.dma_semaphore, #tpu.memory_space<semaphore_mem>>)
        %dma_wait3A_95 = arith.constant 0 : i32
        %dma_wait3A_96 = tpu.memref_slice %arg6[%mul3A_90, %dma_wait3A_95] : memref<1000x128xf32, #tpu.memory_space<vmem_shared>> -> memref<128x128xf32, #tpu.memory_space<vmem_shared>>
        %dma_wait3A_97 = arith.constant 0 : i32
        %dma_wait3A_98 = tpu.memref_slice %arg2[%mul3A_88, %dma_wait3A_97] : memref<1000x128xf32, #tpu.memory_space<hbm>> -> memref<128x128xf32, #tpu.memory_space<hbm>>
        tpu.wait_dma2 semaphore(%run_scoped3A : memref<!tpu.dma_semaphore, #tpu.memory_space<semaphore_mem>>) src(%dma_wait3A_98 : memref<128x128xf32, #tpu.memory_space<hbm>>) dst(%dma_wait3A_96 : memref<128x128xf32, #tpu.memory_space<vmem_shared>>)
        tpu.yield
      }) : () -> ()
    } else {
    }
    %eq3A = arith.constant 7 : i32
    %eq3A_5 = arith.cmpi eq, %arg1, %eq3A : i32
    %convert_element_type3A_6 = arith.extui %eq3A_5 : i1 to i32
    %cond3A_7 = arith.constant 0 : i32
    %cond3A_8 = arith.cmpi ne, %convert_element_type3A_6, %cond3A_7 : i32
    scf.if %cond3A_8 {
      "tpu.region"() ({
        %run_scoped3A = tpu.sem_alloc : memref<!tpu.dma_semaphore, #tpu.memory_space<semaphore_mem>>
        %dma_start3A_87 = arith.constant 896 : i32
        %dma_start3A_88 = arith.constant 0 : i32
        %dma_start3A_89 = tpu.memref_slice %arg6[%dma_start3A_87, %dma_start3A_88] : memref<1000x128xf32, #tpu.memory_space<vmem_shared>> -> memref<104x128xf32, #tpu.memory_space<vmem_shared>>
        %dma_start3A_90 = arith.constant 896 : i32
        %dma_start3A_91 = arith.constant 0 : i32
        %dma_start3A_92 = tpu.memref_slice %arg2[%dma_start3A_90, %dma_start3A_91] : memref<1000x128xf32, #tpu.memory_space<hbm>> -> memref<104x128xf32, #tpu.memory_space<hbm>>
        tpu.enqueue_dma source(%dma_start3A_92 : memref<104x128xf32, #tpu.memory_space<hbm>>) target(%dma_start3A_89 : memref<104x128xf32, #tpu.memory_space<vmem_shared>>) target_semaphore(%run_scoped3A : memref<!tpu.dma_semaphore, #tpu.memory_space<semaphore_mem>>)
        %dma_wait3A_93 = arith.constant 896 : i32
        %dma_wait3A_94 = arith.constant 0 : i32
        %dma_wait3A_95 = tpu.memref_slice %arg6[%dma_wait3A_93, %dma_wait3A_94] : memref<1000x128xf32, #tpu.memory_space<vmem_shared>> -> memref<104x128xf32, #tpu.memory_space<vmem_shared>>
        %dma_wait3A_96 = arith.constant 896 : i32
        %dma_wait3A_97 = arith.constant 0 : i32
        %dma_wait3A_98 = tpu.memref_slice %arg2[%dma_wait3A_96, %dma_wait3A_97] : memref<1000x128xf32, #tpu.memory_space<hbm>> -> memref<104x128xf32, #tpu.memory_space<hbm>>
        tpu.wait_dma2 semaphore(%run_scoped3A : memref<!tpu.dma_semaphore, #tpu.memory_space<semaphore_mem>>) src(%dma_wait3A_98 : memref<104x128xf32, #tpu.memory_space<hbm>>) dst(%dma_wait3A_95 : memref<104x128xf32, #tpu.memory_space<vmem_shared>>)
        tpu.yield
      }) : () -> ()
    } else {
    }
    %mul3A_9 = arith.constant 2 : i32
    %mul3A_10 = arith.muli %mul3A_2, %mul3A_9 : i32
    %dma_start3A = arith.constant 0 : i32
    %dma_start3A_11 = tpu.memref_slice %arg3[%mul3A_10, %dma_start3A] : memref<2048x100xi32, #tpu.memory_space<hbm>> -> memref<64x100xi32, #tpu.memory_space<hbm>>
    %dma_start3A_12 = arith.constant 0 : i32
    %dma_start3A_13 = tpu.memref_slice %arg3[%mul3A_10, %dma_start3A_12] : memref<2048x100xi32, #tpu.memory_space<hbm>> -> memref<64x100xi32, #tpu.memory_space<hbm>>
    tpu.enqueue_dma source(%dma_start3A_13 : memref<64x100xi32, #tpu.memory_space<hbm>>) target(%arg8 : memref<64x100xi32, #tpu.memory_space<vmem>>) target_semaphore(%arg12 : memref<!tpu.dma_semaphore, #tpu.memory_space<semaphore_mem>>)
    "tpu.region"() ({
      %run_scoped3A = tpu.sem_alloc : memref<!tpu.dma_semaphore, #tpu.memory_space<semaphore_mem>>
      tpu.enqueue_dma source(%arg4 : memref<200x128xf32, #tpu.memory_space<hbm>>) target(%arg7 : memref<200x128xf32, #tpu.memory_space<vmem>>) target_semaphore(%run_scoped3A : memref<!tpu.dma_semaphore, #tpu.memory_space<semaphore_mem>>)
      tpu.wait_dma2 semaphore(%run_scoped3A : memref<!tpu.dma_semaphore, #tpu.memory_space<semaphore_mem>>) src(%arg4 : memref<200x128xf32, #tpu.memory_space<hbm>>) dst(%arg7 : memref<200x128xf32, #tpu.memory_space<vmem>>)
      tpu.yield
    }) : () -> ()
    %mul3A_14 = arith.constant 2 : i32
    %mul3A_15 = arith.muli %mul3A_2, %mul3A_14 : i32
    %dma_wait3A = arith.constant 0 : i32
    %dma_wait3A_16 = tpu.memref_slice %arg3[%mul3A_15, %dma_wait3A] : memref<2048x100xi32, #tpu.memory_space<hbm>> -> memref<64x100xi32, #tpu.memory_space<hbm>>
    %dma_wait3A_17 = arith.constant 0 : i32
    %dma_wait3A_18 = tpu.memref_slice %arg3[%mul3A_15, %dma_wait3A_17] : memref<2048x100xi32, #tpu.memory_space<hbm>> -> memref<64x100xi32, #tpu.memory_space<hbm>>
    tpu.wait_dma2 semaphore(%arg12 : memref<!tpu.dma_semaphore, #tpu.memory_space<semaphore_mem>>) src(%dma_wait3A_18 : memref<64x100xi32, #tpu.memory_space<hbm>>) dst(%arg8 : memref<64x100xi32, #tpu.memory_space<vmem>>)
    %barrier3A = arith.constant 0 : index
    tpu.barrier barrier_id(%barrier3A)
    %dma_start3A_19 = arith.constant 0 : i32
    %dma_start3A_20 = arith.constant 0 : i32
    %dma_start3A_21 = arith.constant 0 : i32
    %dma_start3A_22 = arith.constant 0 : i32
    %dma_start3A_23 = tpu.memref_slice %arg9[%dma_start3A_20, %dma_start3A_21, %dma_start3A_22] : memref<3x200x128xf32, #tpu.memory_space<vmem>> -> memref<1x100x128xf32, #tpu.memory_space<vmem>>
    %dma_start3A_24 = tpu.memref_squeeze %dma_start3A_23 : memref<1x100x128xf32, #tpu.memory_space<vmem>> -> memref<100x128xf32, #tpu.memory_space<vmem>>
    %dma_start3A_25 = arith.constant 0 : i32
    %dma_start3A_26 = tpu.memref_slice %arg8[%dma_start3A_19, %dma_start3A_25] : memref<64x100xi32, #tpu.memory_space<vmem>> -> memref<1x100xi32, #tpu.memory_space<vmem>>
    %dma_start3A_27 = tpu.memref_squeeze %dma_start3A_26 : memref<1x100xi32, #tpu.memory_space<vmem>> -> memref<100xi32, #tpu.memory_space<vmem>>
    %dma_start3A_28 = arith.constant 0 : i32
    %dma_start3A_29 = arith.constant 0 : i32
    %dma_start3A_30 = tpu.memref_slice %arg6[%dma_start3A_28, %dma_start3A_29] : memref<1000x128xf32, #tpu.memory_space<vmem_shared>> -> memref<1000x128xf32, #tpu.memory_space<vmem_shared>>
    tpu.enqueue_indirect_dma source(%dma_start3A_30 : memref<1000x128xf32, #tpu.memory_space<vmem_shared>>) target(%dma_start3A_24 : memref<100x128xf32, #tpu.memory_space<vmem>>) offsets(%dma_start3A_27 : memref<100xi32, #tpu.memory_space<vmem>>) semaphore(%arg10 : memref<!tpu.dma_semaphore, #tpu.memory_space<semaphore_mem>>)
    %dma_start3A_31 = arith.constant 1 : i32
    %dma_start3A_32 = arith.constant 0 : i32
    %dma_start3A_33 = arith.constant 100 : i32
    %dma_start3A_34 = arith.constant 0 : i32
    %dma_start3A_35 = tpu.memref_slice %arg9[%dma_start3A_32, %dma_start3A_33, %dma_start3A_34] : memref<3x200x128xf32, #tpu.memory_space<vmem>> -> memref<1x100x128xf32, #tpu.memory_space<vmem>>
    %dma_start3A_36 = tpu.memref_squeeze %dma_start3A_35 : memref<1x100x128xf32, #tpu.memory_space<vmem>> -> memref<100x128xf32, #tpu.memory_space<vmem>>
    %dma_start3A_37 = arith.constant 0 : i32
    %dma_start3A_38 = tpu.memref_slice %arg8[%dma_start3A_31, %dma_start3A_37] : memref<64x100xi32, #tpu.memory_space<vmem>> -> memref<1x100xi32, #tpu.memory_space<vmem>>
    %dma_start3A_39 = tpu.memref_squeeze %dma_start3A_38 : memref<1x100xi32, #tpu.memory_space<vmem>> -> memref<100xi32, #tpu.memory_space<vmem>>
    %dma_start3A_40 = arith.constant 0 : i32
    %dma_start3A_41 = arith.constant 0 : i32
    %dma_start3A_42 = tpu.memref_slice %arg6[%dma_start3A_40, %dma_start3A_41] : memref<1000x128xf32, #tpu.memory_space<vmem_shared>> -> memref<1000x128xf32, #tpu.memory_space<vmem_shared>>
    tpu.enqueue_indirect_dma source(%dma_start3A_42 : memref<1000x128xf32, #tpu.memory_space<vmem_shared>>) target(%dma_start3A_36 : memref<100x128xf32, #tpu.memory_space<vmem>>) offsets(%dma_start3A_39 : memref<100xi32, #tpu.memory_space<vmem>>) semaphore(%arg10 : memref<!tpu.dma_semaphore, #tpu.memory_space<semaphore_mem>>)
    %dma_start3A_43 = arith.constant 2 : i32
    %dma_start3A_44 = arith.constant 1 : i32
    %dma_start3A_45 = arith.constant 0 : i32
    %dma_start3A_46 = arith.constant 0 : i32
    %dma_start3A_47 = tpu.memref_slice %arg9[%dma_start3A_44, %dma_start3A_45, %dma_start3A_46] : memref<3x200x128xf32, #tpu.memory_space<vmem>> -> memref<1x100x128xf32, #tpu.memory_space<vmem>>
    %dma_start3A_48 = tpu.memref_squeeze %dma_start3A_47 : memref<1x100x128xf32, #tpu.memory_space<vmem>> -> memref<100x128xf32, #tpu.memory_space<vmem>>
    %dma_start3A_49 = arith.constant 0 : i32
    %dma_start3A_50 = tpu.memref_slice %arg8[%dma_start3A_43, %dma_start3A_49] : memref<64x100xi32, #tpu.memory_space<vmem>> -> memref<1x100xi32, #tpu.memory_space<vmem>>
    %dma_start3A_51 = tpu.memref_squeeze %dma_start3A_50 : memref<1x100xi32, #tpu.memory_space<vmem>> -> memref<100xi32, #tpu.memory_space<vmem>>
    %dma_start3A_52 = arith.constant 0 : i32
    %dma_start3A_53 = arith.constant 0 : i32
    %dma_start3A_54 = tpu.memref_slice %arg6[%dma_start3A_52, %dma_start3A_53] : memref<1000x128xf32, #tpu.memory_space<vmem_shared>> -> memref<1000x128xf32, #tpu.memory_space<vmem_shared>>
    tpu.enqueue_indirect_dma source(%dma_start3A_54 : memref<1000x128xf32, #tpu.memory_space<vmem_shared>>) target(%dma_start3A_48 : memref<100x128xf32, #tpu.memory_space<vmem>>) offsets(%dma_start3A_51 : memref<100xi32, #tpu.memory_space<vmem>>) semaphore(%arg11 : memref<!tpu.dma_semaphore, #tpu.memory_space<semaphore_mem>>)
    %dma_start3A_55 = arith.constant 3 : i32
    %dma_start3A_56 = arith.constant 1 : i32
    %dma_start3A_57 = arith.constant 100 : i32
    %dma_start3A_58 = arith.constant 0 : i32
    %dma_start3A_59 = tpu.memref_slice %arg9[%dma_start3A_56, %dma_start3A_57, %dma_start3A_58] : memref<3x200x128xf32, #tpu.memory_space<vmem>> -> memref<1x100x128xf32, #tpu.memory_space<vmem>>
    %dma_start3A_60 = tpu.memref_squeeze %dma_start3A_59 : memref<1x100x128xf32, #tpu.memory_space<vmem>> -> memref<100x128xf32, #tpu.memory_space<vmem>>
    %dma_start3A_61 = arith.constant 0 : i32
    %dma_start3A_62 = tpu.memref_slice %arg8[%dma_start3A_55, %dma_start3A_61] : memref<64x100xi32, #tpu.memory_space<vmem>> -> memref<1x100xi32, #tpu.memory_space<vmem>>
    %dma_start3A_63 = tpu.memref_squeeze %dma_start3A_62 : memref<1x100xi32, #tpu.memory_space<vmem>> -> memref<100xi32, #tpu.memory_space<vmem>>
    %dma_start3A_64 = arith.constant 0 : i32
    %dma_start3A_65 = arith.constant 0 : i32
    %dma_start3A_66 = tpu.memref_slice %arg6[%dma_start3A_64, %dma_start3A_65] : memref<1000x128xf32, #tpu.memory_space<vmem_shared>> -> memref<1000x128xf32, #tpu.memory_space<vmem_shared>>
    tpu.enqueue_indirect_dma source(%dma_start3A_66 : memref<1000x128xf32, #tpu.memory_space<vmem_shared>>) target(%dma_start3A_60 : memref<100x128xf32, #tpu.memory_space<vmem>>) offsets(%dma_start3A_63 : memref<100xi32, #tpu.memory_space<vmem>>) semaphore(%arg11 : memref<!tpu.dma_semaphore, #tpu.memory_space<semaphore_mem>>)
    %scan3A = arith.constant 0 : i32
    %scan3A_67 = arith.constant 0 : i32
    %scan3A_68 = arith.constant 32 : i32
    %scan3A_69 = arith.addi %scan3A_67, %scan3A_68 : i32
    %scan3A_70 = arith.constant 1 : i32
    scf.for %scan3A_87 = %scan3A_67 to %scan3A_69 step %scan3A_70  : i32 {
      %jit3A = arith.constant 3 : i32
      %eq3A_88 = arith.constant 0 : i32
      %eq3A_89 = arith.cmpi eq, %jit3A, %eq3A_88 : i32
      %jit3A_90 = arith.constant 1 : i32
      %select_n3A = arith.select %eq3A_89, %jit3A_90, %jit3A : i32
      %rem3A = arith.remsi %scan3A_87, %select_n3A : i32
      %ne3A = arith.constant 0 : i32
      %ne3A_91 = arith.cmpi ne, %rem3A, %ne3A : i32
      %lt3A_92 = arith.constant 0 : i32
      %lt3A_93 = arith.cmpi slt, %rem3A, %lt3A_92 : i32
      %lt3A_94 = arith.constant 0 : i32
      %lt3A_95 = arith.cmpi slt, %select_n3A, %lt3A_94 : i32
      %ne3A_96 = arith.xori %lt3A_93, %lt3A_95 : i1
      %and3A = arith.andi %ne3A_96, %ne3A_91 : i1
      %add3A_97 = arith.addi %rem3A, %select_n3A : i32
      %select_n3A_98 = arith.select %and3A, %add3A_97, %rem3A : i32
      %jit3A_99 = arith.constant 2 : i32
      %eq3A_100 = arith.constant 0 : i32
      %eq3A_101 = arith.cmpi eq, %jit3A_99, %eq3A_100 : i32
      %jit3A_102 = arith.constant 1 : i32
      %select_n3A_103 = arith.select %eq3A_101, %jit3A_102, %jit3A_99 : i32
      %rem3A_104 = arith.remsi %scan3A_87, %select_n3A_103 : i32
      %ne3A_105 = arith.constant 0 : i32
      %ne3A_106 = arith.cmpi ne, %rem3A_104, %ne3A_105 : i32
      %lt3A_107 = arith.constant 0 : i32
      %lt3A_108 = arith.cmpi slt, %rem3A_104, %lt3A_107 : i32
      %lt3A_109 = arith.constant 0 : i32
      %lt3A_110 = arith.cmpi slt, %select_n3A_103, %lt3A_109 : i32
      %ne3A_111 = arith.xori %lt3A_108, %lt3A_110 : i1
      %and3A_112 = arith.andi %ne3A_111, %ne3A_106 : i1
      %add3A_113 = arith.addi %rem3A_104, %select_n3A_103 : i32
      %select_n3A_114 = arith.select %and3A_112, %add3A_113, %rem3A_104 : i32
      %eq3A_115 = arith.constant 0 : i32
      %eq3A_116 = arith.cmpi eq, %select_n3A_114, %eq3A_115 : i32
      %convert_element_type3A_117 = arith.extui %eq3A_116 : i1 to i32
      %cond3A_118 = arith.constant 0 : i32
      %cond3A_119 = arith.cmpi ne, %convert_element_type3A_117, %cond3A_118 : i32
      scf.if %cond3A_119 {
        %mul3A_169 = arith.constant 2 : i32
        %mul3A_170 = arith.muli %mul3A_169, %scan3A_87 : i32
        %add3A_171 = arith.constant 0 : i32
        %add3A_172 = arith.addi %mul3A_170, %add3A_171 : i32
        %dma_wait3A_173 = arith.constant 0 : i32
        %dma_wait3A_174 = arith.constant 0 : i32
        %dma_wait3A_175 = tpu.memref_slice %arg9[%select_n3A_98, %dma_wait3A_173, %dma_wait3A_174] : memref<3x200x128xf32, #tpu.memory_space<vmem>> -> memref<1x100x128xf32, #tpu.memory_space<vmem>>
        %dma_wait3A_176 = tpu.memref_squeeze %dma_wait3A_175 : memref<1x100x128xf32, #tpu.memory_space<vmem>> -> memref<100x128xf32, #tpu.memory_space<vmem>>
        %dma_wait3A_177 = arith.constant 0 : i32
        %dma_wait3A_178 = tpu.memref_slice %arg8[%add3A_172, %dma_wait3A_177] : memref<64x100xi32, #tpu.memory_space<vmem>> -> memref<1x100xi32, #tpu.memory_space<vmem>>
        %dma_wait3A_179 = tpu.memref_squeeze %dma_wait3A_178 : memref<1x100xi32, #tpu.memory_space<vmem>> -> memref<100xi32, #tpu.memory_space<vmem>>
        %dma_wait3A_180 = arith.constant 0 : i32
        %dma_wait3A_181 = arith.constant 0 : i32
        %dma_wait3A_182 = tpu.memref_slice %arg6[%dma_wait3A_180, %dma_wait3A_181] : memref<1000x128xf32, #tpu.memory_space<vmem_shared>> -> memref<1000x128xf32, #tpu.memory_space<vmem_shared>>
        tpu.wait_indirect_dma semaphore(%arg10 : memref<!tpu.dma_semaphore, #tpu.memory_space<semaphore_mem>>) src(%dma_wait3A_182 : memref<1000x128xf32, #tpu.memory_space<vmem_shared>>) dst(%dma_wait3A_176 : memref<100x128xf32, #tpu.memory_space<vmem>>)
        %mul3A_183 = arith.constant 2 : i32
        %mul3A_184 = arith.muli %mul3A_183, %scan3A_87 : i32
        %add3A_185 = arith.constant 1 : i32
        %add3A_186 = arith.addi %mul3A_184, %add3A_185 : i32
        %dma_wait3A_187 = arith.constant 100 : i32
        %dma_wait3A_188 = arith.constant 0 : i32
        %dma_wait3A_189 = tpu.memref_slice %arg9[%select_n3A_98, %dma_wait3A_187, %dma_wait3A_188] : memref<3x200x128xf32, #tpu.memory_space<vmem>> -> memref<1x100x128xf32, #tpu.memory_space<vmem>>
        %dma_wait3A_190 = tpu.memref_squeeze %dma_wait3A_189 : memref<1x100x128xf32, #tpu.memory_space<vmem>> -> memref<100x128xf32, #tpu.memory_space<vmem>>
        %dma_wait3A_191 = arith.constant 0 : i32
        %dma_wait3A_192 = tpu.memref_slice %arg8[%add3A_186, %dma_wait3A_191] : memref<64x100xi32, #tpu.memory_space<vmem>> -> memref<1x100xi32, #tpu.memory_space<vmem>>
        %dma_wait3A_193 = tpu.memref_squeeze %dma_wait3A_192 : memref<1x100xi32, #tpu.memory_space<vmem>> -> memref<100xi32, #tpu.memory_space<vmem>>
        %dma_wait3A_194 = arith.constant 0 : i32
        %dma_wait3A_195 = arith.constant 0 : i32
        %dma_wait3A_196 = tpu.memref_slice %arg6[%dma_wait3A_194, %dma_wait3A_195] : memref<1000x128xf32, #tpu.memory_space<vmem_shared>> -> memref<1000x128xf32, #tpu.memory_space<vmem_shared>>
        tpu.wait_indirect_dma semaphore(%arg10 : memref<!tpu.dma_semaphore, #tpu.memory_space<semaphore_mem>>) src(%dma_wait3A_196 : memref<1000x128xf32, #tpu.memory_space<vmem_shared>>) dst(%dma_wait3A_190 : memref<100x128xf32, #tpu.memory_space<vmem>>)
      } else {
      }
      %jit3A_120 = arith.constant 2 : i32
      %eq3A_121 = arith.constant 0 : i32
      %eq3A_122 = arith.cmpi eq, %jit3A_120, %eq3A_121 : i32
      %jit3A_123 = arith.constant 1 : i32
      %select_n3A_124 = arith.select %eq3A_122, %jit3A_123, %jit3A_120 : i32
      %rem3A_125 = arith.remsi %scan3A_87, %select_n3A_124 : i32
      %ne3A_126 = arith.constant 0 : i32
      %ne3A_127 = arith.cmpi ne, %rem3A_125, %ne3A_126 : i32
      %lt3A_128 = arith.constant 0 : i32
      %lt3A_129 = arith.cmpi slt, %rem3A_125, %lt3A_128 : i32
      %lt3A_130 = arith.constant 0 : i32
      %lt3A_131 = arith.cmpi slt, %select_n3A_124, %lt3A_130 : i32
      %ne3A_132 = arith.xori %lt3A_129, %lt3A_131 : i1
      %and3A_133 = arith.andi %ne3A_132, %ne3A_127 : i1
      %add3A_134 = arith.addi %rem3A_125, %select_n3A_124 : i32
      %select_n3A_135 = arith.select %and3A_133, %add3A_134, %rem3A_125 : i32
      %eq3A_136 = arith.constant 1 : i32
      %eq3A_137 = arith.cmpi eq, %select_n3A_135, %eq3A_136 : i32
      %convert_element_type3A_138 = arith.extui %eq3A_137 : i1 to i32
      %cond3A_139 = arith.constant 0 : i32
      %cond3A_140 = arith.cmpi ne, %convert_element_type3A_138, %cond3A_139 : i32
      scf.if %cond3A_140 {
        %mul3A_169 = arith.constant 2 : i32
        %mul3A_170 = arith.muli %mul3A_169, %scan3A_87 : i32
        %add3A_171 = arith.constant 0 : i32
        %add3A_172 = arith.addi %mul3A_170, %add3A_171 : i32
        %dma_wait3A_173 = arith.constant 0 : i32
        %dma_wait3A_174 = arith.constant 0 : i32
        %dma_wait3A_175 = tpu.memref_slice %arg9[%select_n3A_98, %dma_wait3A_173, %dma_wait3A_174] : memref<3x200x128xf32, #tpu.memory_space<vmem>> -> memref<1x100x128xf32, #tpu.memory_space<vmem>>
        %dma_wait3A_176 = tpu.memref_squeeze %dma_wait3A_175 : memref<1x100x128xf32, #tpu.memory_space<vmem>> -> memref<100x128xf32, #tpu.memory_space<vmem>>
        %dma_wait3A_177 = arith.constant 0 : i32
        %dma_wait3A_178 = tpu.memref_slice %arg8[%add3A_172, %dma_wait3A_177] : memref<64x100xi32, #tpu.memory_space<vmem>> -> memref<1x100xi32, #tpu.memory_space<vmem>>
        %dma_wait3A_179 = tpu.memref_squeeze %dma_wait3A_178 : memref<1x100xi32, #tpu.memory_space<vmem>> -> memref<100xi32, #tpu.memory_space<vmem>>
        %dma_wait3A_180 = arith.constant 0 : i32
        %dma_wait3A_181 = arith.constant 0 : i32
        %dma_wait3A_182 = tpu.memref_slice %arg6[%dma_wait3A_180, %dma_wait3A_181] : memref<1000x128xf32, #tpu.memory_space<vmem_shared>> -> memref<1000x128xf32, #tpu.memory_space<vmem_shared>>
        tpu.wait_indirect_dma semaphore(%arg11 : memref<!tpu.dma_semaphore, #tpu.memory_space<semaphore_mem>>) src(%dma_wait3A_182 : memref<1000x128xf32, #tpu.memory_space<vmem_shared>>) dst(%dma_wait3A_176 : memref<100x128xf32, #tpu.memory_space<vmem>>)
        %mul3A_183 = arith.constant 2 : i32
        %mul3A_184 = arith.muli %mul3A_183, %scan3A_87 : i32
        %add3A_185 = arith.constant 1 : i32
        %add3A_186 = arith.addi %mul3A_184, %add3A_185 : i32
        %dma_wait3A_187 = arith.constant 100 : i32
        %dma_wait3A_188 = arith.constant 0 : i32
        %dma_wait3A_189 = tpu.memref_slice %arg9[%select_n3A_98, %dma_wait3A_187, %dma_wait3A_188] : memref<3x200x128xf32, #tpu.memory_space<vmem>> -> memref<1x100x128xf32, #tpu.memory_space<vmem>>
        %dma_wait3A_190 = tpu.memref_squeeze %dma_wait3A_189 : memref<1x100x128xf32, #tpu.memory_space<vmem>> -> memref<100x128xf32, #tpu.memory_space<vmem>>
        %dma_wait3A_191 = arith.constant 0 : i32
        %dma_wait3A_192 = tpu.memref_slice %arg8[%add3A_186, %dma_wait3A_191] : memref<64x100xi32, #tpu.memory_space<vmem>> -> memref<1x100xi32, #tpu.memory_space<vmem>>
        %dma_wait3A_193 = tpu.memref_squeeze %dma_wait3A_192 : memref<1x100xi32, #tpu.memory_space<vmem>> -> memref<100xi32, #tpu.memory_space<vmem>>
        %dma_wait3A_194 = arith.constant 0 : i32
        %dma_wait3A_195 = arith.constant 0 : i32
        %dma_wait3A_196 = tpu.memref_slice %arg6[%dma_wait3A_194, %dma_wait3A_195] : memref<1000x128xf32, #tpu.memory_space<vmem_shared>> -> memref<1000x128xf32, #tpu.memory_space<vmem_shared>>
        tpu.wait_indirect_dma semaphore(%arg11 : memref<!tpu.dma_semaphore, #tpu.memory_space<semaphore_mem>>) src(%dma_wait3A_196 : memref<1000x128xf32, #tpu.memory_space<vmem_shared>>) dst(%dma_wait3A_190 : memref<100x128xf32, #tpu.memory_space<vmem>>)
      } else {
      }
      %ge3A = arith.constant 1 : i32
      %ge3A_141 = arith.cmpi sge, %scan3A_87, %ge3A : i32
      %convert_element_type3A_142 = arith.extui %ge3A_141 : i1 to i32
      %cond3A_143 = arith.constant 0 : i32
      %cond3A_144 = arith.cmpi ne, %convert_element_type3A_142, %cond3A_143 : i32
      scf.if %cond3A_144 {
        %dma_wait3A_169 = arith.constant 0 : i32
        %dma_wait3A_170 = arith.constant 0 : i32
        %dma_wait3A_171 = arith.constant 0 : i32
        %dma_wait3A_172 = tpu.memref_slice %arg9[%dma_wait3A_169, %dma_wait3A_170, %dma_wait3A_171] : memref<3x200x128xf32, #tpu.memory_space<vmem>> -> memref<1x200x128xf32, #tpu.memory_space<vmem>>
        %dma_wait3A_173 = tpu.memref_squeeze %dma_wait3A_172 : memref<1x200x128xf32, #tpu.memory_space<vmem>> -> memref<200x128xf32, #tpu.memory_space<vmem>>
        %dma_wait3A_174 = arith.constant 0 : i32
        %dma_wait3A_175 = arith.constant 0 : i32
        %dma_wait3A_176 = tpu.memref_slice %arg5[%dma_wait3A_174, %dma_wait3A_175] : memref<204800x128xf32, #tpu.memory_space<hbm>> -> memref<200x128xf32, #tpu.memory_space<hbm>>
        %dma_wait3A_177 = arith.constant 0 : i32
        %dma_wait3A_178 = arith.constant 0 : i32
        %dma_wait3A_179 = tpu.memref_slice %arg5[%dma_wait3A_177, %dma_wait3A_178] : memref<204800x128xf32, #tpu.memory_space<hbm>> -> memref<200x128xf32, #tpu.memory_space<hbm>>
        %dma_wait3A_180 = arith.constant 0 : i32
        %dma_wait3A_181 = arith.constant 0 : i32
        %dma_wait3A_182 = tpu.memref_slice %arg9[%dma_wait3A_169, %dma_wait3A_180, %dma_wait3A_181] : memref<3x200x128xf32, #tpu.memory_space<vmem>> -> memref<1x200x128xf32, #tpu.memory_space<vmem>>
        %dma_wait3A_183 = tpu.memref_squeeze %dma_wait3A_182 : memref<1x200x128xf32, #tpu.memory_space<vmem>> -> memref<200x128xf32, #tpu.memory_space<vmem>>
        tpu.wait_dma2 semaphore(%arg13 : memref<!tpu.dma_semaphore, #tpu.memory_space<semaphore_mem>>) src(%dma_wait3A_183 : memref<200x128xf32, #tpu.memory_space<vmem>>) dst(%dma_wait3A_179 : memref<200x128xf32, #tpu.memory_space<hbm>>)
      } else {
      }
      %add3A_145 = arith.constant 2 : i32
      %add3A_146 = arith.addi %scan3A_87, %add3A_145 : i32
      %lt3A_147 = arith.constant 32 : i32
      %lt3A_148 = arith.cmpi slt, %add3A_146, %lt3A_147 : i32
      %convert_element_type3A_149 = arith.extui %lt3A_148 : i1 to i32
      %cond3A_150 = arith.constant 0 : i32
      %cond3A_151 = arith.cmpi ne, %convert_element_type3A_149, %cond3A_150 : i32
      scf.if %cond3A_151 {
        %add3A_169 = arith.constant 2 : i32
        %add3A_170 = arith.addi %scan3A_87, %add3A_169 : i32
        %jit3A_171 = arith.constant 3 : i32
        %eq3A_172 = arith.constant 0 : i32
        %eq3A_173 = arith.cmpi eq, %jit3A_171, %eq3A_172 : i32
        %jit3A_174 = arith.constant 1 : i32
        %select_n3A_175 = arith.select %eq3A_173, %jit3A_174, %jit3A_171 : i32
        %rem3A_176 = arith.remsi %add3A_170, %select_n3A_175 : i32
        %ne3A_177 = arith.constant 0 : i32
        %ne3A_178 = arith.cmpi ne, %rem3A_176, %ne3A_177 : i32
        %lt3A_179 = arith.constant 0 : i32
        %lt3A_180 = arith.cmpi slt, %rem3A_176, %lt3A_179 : i32
        %lt3A_181 = arith.constant 0 : i32
        %lt3A_182 = arith.cmpi slt, %select_n3A_175, %lt3A_181 : i32
        %ne3A_183 = arith.xori %lt3A_180, %lt3A_182 : i1
        %and3A_184 = arith.andi %ne3A_183, %ne3A_178 : i1
        %add3A_185 = arith.addi %rem3A_176, %select_n3A_175 : i32
        %select_n3A_186 = arith.select %and3A_184, %add3A_185, %rem3A_176 : i32
        %jit3A_187 = arith.constant 2 : i32
        %eq3A_188 = arith.constant 0 : i32
        %eq3A_189 = arith.cmpi eq, %jit3A_187, %eq3A_188 : i32
        %jit3A_190 = arith.constant 1 : i32
        %select_n3A_191 = arith.select %eq3A_189, %jit3A_190, %jit3A_187 : i32
        %rem3A_192 = arith.remsi %scan3A_87, %select_n3A_191 : i32
        %ne3A_193 = arith.constant 0 : i32
        %ne3A_194 = arith.cmpi ne, %rem3A_192, %ne3A_193 : i32
        %lt3A_195 = arith.constant 0 : i32
        %lt3A_196 = arith.cmpi slt, %rem3A_192, %lt3A_195 : i32
        %lt3A_197 = arith.constant 0 : i32
        %lt3A_198 = arith.cmpi slt, %select_n3A_191, %lt3A_197 : i32
        %ne3A_199 = arith.xori %lt3A_196, %lt3A_198 : i1
        %and3A_200 = arith.andi %ne3A_199, %ne3A_194 : i1
        %add3A_201 = arith.addi %rem3A_192, %select_n3A_191 : i32
        %select_n3A_202 = arith.select %and3A_200, %add3A_201, %rem3A_192 : i32
        %eq3A_203 = arith.constant 0 : i32
        %eq3A_204 = arith.cmpi eq, %select_n3A_202, %eq3A_203 : i32
        %convert_element_type3A_205 = arith.extui %eq3A_204 : i1 to i32
        %cond3A_206 = arith.constant 0 : i32
        %cond3A_207 = arith.cmpi ne, %convert_element_type3A_205, %cond3A_206 : i32
        scf.if %cond3A_207 {
          %add3A_229 = arith.constant 2 : i32
          %add3A_230 = arith.addi %scan3A_87, %add3A_229 : i32
          %mul3A_231 = arith.constant 2 : i32
          %mul3A_232 = arith.muli %mul3A_231, %add3A_230 : i32
          %add3A_233 = arith.constant 0 : i32
          %add3A_234 = arith.addi %mul3A_232, %add3A_233 : i32
          %dma_start3A_235 = arith.constant 0 : i32
          %dma_start3A_236 = arith.constant 0 : i32
          %dma_start3A_237 = tpu.memref_slice %arg9[%select_n3A_186, %dma_start3A_235, %dma_start3A_236] : memref<3x200x128xf32, #tpu.memory_space<vmem>> -> memref<1x100x128xf32, #tpu.memory_space<vmem>>
          %dma_start3A_238 = tpu.memref_squeeze %dma_start3A_237 : memref<1x100x128xf32, #tpu.memory_space<vmem>> -> memref<100x128xf32, #tpu.memory_space<vmem>>
          %dma_start3A_239 = arith.constant 0 : i32
          %dma_start3A_240 = tpu.memref_slice %arg8[%add3A_234, %dma_start3A_239] : memref<64x100xi32, #tpu.memory_space<vmem>> -> memref<1x100xi32, #tpu.memory_space<vmem>>
          %dma_start3A_241 = tpu.memref_squeeze %dma_start3A_240 : memref<1x100xi32, #tpu.memory_space<vmem>> -> memref<100xi32, #tpu.memory_space<vmem>>
          %dma_start3A_242 = arith.constant 0 : i32
          %dma_start3A_243 = arith.constant 0 : i32
          %dma_start3A_244 = tpu.memref_slice %arg6[%dma_start3A_242, %dma_start3A_243] : memref<1000x128xf32, #tpu.memory_space<vmem_shared>> -> memref<1000x128xf32, #tpu.memory_space<vmem_shared>>
          tpu.enqueue_indirect_dma source(%dma_start3A_244 : memref<1000x128xf32, #tpu.memory_space<vmem_shared>>) target(%dma_start3A_238 : memref<100x128xf32, #tpu.memory_space<vmem>>) offsets(%dma_start3A_241 : memref<100xi32, #tpu.memory_space<vmem>>) semaphore(%arg10 : memref<!tpu.dma_semaphore, #tpu.memory_space<semaphore_mem>>)
          %mul3A_245 = arith.constant 2 : i32
          %mul3A_246 = arith.muli %mul3A_245, %add3A_230 : i32
          %add3A_247 = arith.constant 1 : i32
          %add3A_248 = arith.addi %mul3A_246, %add3A_247 : i32
          %dma_start3A_249 = arith.constant 100 : i32
          %dma_start3A_250 = arith.constant 0 : i32
          %dma_start3A_251 = tpu.memref_slice %arg9[%select_n3A_186, %dma_start3A_249, %dma_start3A_250] : memref<3x200x128xf32, #tpu.memory_space<vmem>> -> memref<1x100x128xf32, #tpu.memory_space<vmem>>
          %dma_start3A_252 = tpu.memref_squeeze %dma_start3A_251 : memref<1x100x128xf32, #tpu.memory_space<vmem>> -> memref<100x128xf32, #tpu.memory_space<vmem>>
          %dma_start3A_253 = arith.constant 0 : i32
          %dma_start3A_254 = tpu.memref_slice %arg8[%add3A_248, %dma_start3A_253] : memref<64x100xi32, #tpu.memory_space<vmem>> -> memref<1x100xi32, #tpu.memory_space<vmem>>
          %dma_start3A_255 = tpu.memref_squeeze %dma_start3A_254 : memref<1x100xi32, #tpu.memory_space<vmem>> -> memref<100xi32, #tpu.memory_space<vmem>>
          %dma_start3A_256 = arith.constant 0 : i32
          %dma_start3A_257 = arith.constant 0 : i32
          %dma_start3A_258 = tpu.memref_slice %arg6[%dma_start3A_256, %dma_start3A_257] : memref<1000x128xf32, #tpu.memory_space<vmem_shared>> -> memref<1000x128xf32, #tpu.memory_space<vmem_shared>>
          tpu.enqueue_indirect_dma source(%dma_start3A_258 : memref<1000x128xf32, #tpu.memory_space<vmem_shared>>) target(%dma_start3A_252 : memref<100x128xf32, #tpu.memory_space<vmem>>) offsets(%dma_start3A_255 : memref<100xi32, #tpu.memory_space<vmem>>) semaphore(%arg10 : memref<!tpu.dma_semaphore, #tpu.memory_space<semaphore_mem>>)
        } else {
        }
        %jit3A_208 = arith.constant 2 : i32
        %eq3A_209 = arith.constant 0 : i32
        %eq3A_210 = arith.cmpi eq, %jit3A_208, %eq3A_209 : i32
        %jit3A_211 = arith.constant 1 : i32
        %select_n3A_212 = arith.select %eq3A_210, %jit3A_211, %jit3A_208 : i32
        %rem3A_213 = arith.remsi %scan3A_87, %select_n3A_212 : i32
        %ne3A_214 = arith.constant 0 : i32
        %ne3A_215 = arith.cmpi ne, %rem3A_213, %ne3A_214 : i32
        %lt3A_216 = arith.constant 0 : i32
        %lt3A_217 = arith.cmpi slt, %rem3A_213, %lt3A_216 : i32
        %lt3A_218 = arith.constant 0 : i32
        %lt3A_219 = arith.cmpi slt, %select_n3A_212, %lt3A_218 : i32
        %ne3A_220 = arith.xori %lt3A_217, %lt3A_219 : i1
        %and3A_221 = arith.andi %ne3A_220, %ne3A_215 : i1
        %add3A_222 = arith.addi %rem3A_213, %select_n3A_212 : i32
        %select_n3A_223 = arith.select %and3A_221, %add3A_222, %rem3A_213 : i32
        %eq3A_224 = arith.constant 1 : i32
        %eq3A_225 = arith.cmpi eq, %select_n3A_223, %eq3A_224 : i32
        %convert_element_type3A_226 = arith.extui %eq3A_225 : i1 to i32
        %cond3A_227 = arith.constant 0 : i32
        %cond3A_228 = arith.cmpi ne, %convert_element_type3A_226, %cond3A_227 : i32
        scf.if %cond3A_228 {
          %add3A_229 = arith.constant 2 : i32
          %add3A_230 = arith.addi %scan3A_87, %add3A_229 : i32
          %mul3A_231 = arith.constant 2 : i32
          %mul3A_232 = arith.muli %mul3A_231, %add3A_230 : i32
          %add3A_233 = arith.constant 0 : i32
          %add3A_234 = arith.addi %mul3A_232, %add3A_233 : i32
          %dma_start3A_235 = arith.constant 0 : i32
          %dma_start3A_236 = arith.constant 0 : i32
          %dma_start3A_237 = tpu.memref_slice %arg9[%select_n3A_186, %dma_start3A_235, %dma_start3A_236] : memref<3x200x128xf32, #tpu.memory_space<vmem>> -> memref<1x100x128xf32, #tpu.memory_space<vmem>>
          %dma_start3A_238 = tpu.memref_squeeze %dma_start3A_237 : memref<1x100x128xf32, #tpu.memory_space<vmem>> -> memref<100x128xf32, #tpu.memory_space<vmem>>
          %dma_start3A_239 = arith.constant 0 : i32
          %dma_start3A_240 = tpu.memref_slice %arg8[%add3A_234, %dma_start3A_239] : memref<64x100xi32, #tpu.memory_space<vmem>> -> memref<1x100xi32, #tpu.memory_space<vmem>>
          %dma_start3A_241 = tpu.memref_squeeze %dma_start3A_240 : memref<1x100xi32, #tpu.memory_space<vmem>> -> memref<100xi32, #tpu.memory_space<vmem>>
          %dma_start3A_242 = arith.constant 0 : i32
          %dma_start3A_243 = arith.constant 0 : i32
          %dma_start3A_244 = tpu.memref_slice %arg6[%dma_start3A_242, %dma_start3A_243] : memref<1000x128xf32, #tpu.memory_space<vmem_shared>> -> memref<1000x128xf32, #tpu.memory_space<vmem_shared>>
          tpu.enqueue_indirect_dma source(%dma_start3A_244 : memref<1000x128xf32, #tpu.memory_space<vmem_shared>>) target(%dma_start3A_238 : memref<100x128xf32, #tpu.memory_space<vmem>>) offsets(%dma_start3A_241 : memref<100xi32, #tpu.memory_space<vmem>>) semaphore(%arg11 : memref<!tpu.dma_semaphore, #tpu.memory_space<semaphore_mem>>)
          %mul3A_245 = arith.constant 2 : i32
          %mul3A_246 = arith.muli %mul3A_245, %add3A_230 : i32
          %add3A_247 = arith.constant 1 : i32
          %add3A_248 = arith.addi %mul3A_246, %add3A_247 : i32
          %dma_start3A_249 = arith.constant 100 : i32
          %dma_start3A_250 = arith.constant 0 : i32
          %dma_start3A_251 = tpu.memref_slice %arg9[%select_n3A_186, %dma_start3A_249, %dma_start3A_250] : memref<3x200x128xf32, #tpu.memory_space<vmem>> -> memref<1x100x128xf32, #tpu.memory_space<vmem>>
          %dma_start3A_252 = tpu.memref_squeeze %dma_start3A_251 : memref<1x100x128xf32, #tpu.memory_space<vmem>> -> memref<100x128xf32, #tpu.memory_space<vmem>>
          %dma_start3A_253 = arith.constant 0 : i32
          %dma_start3A_254 = tpu.memref_slice %arg8[%add3A_248, %dma_start3A_253] : memref<64x100xi32, #tpu.memory_space<vmem>> -> memref<1x100xi32, #tpu.memory_space<vmem>>
          %dma_start3A_255 = tpu.memref_squeeze %dma_start3A_254 : memref<1x100xi32, #tpu.memory_space<vmem>> -> memref<100xi32, #tpu.memory_space<vmem>>
          %dma_start3A_256 = arith.constant 0 : i32
          %dma_start3A_257 = arith.constant 0 : i32
          %dma_start3A_258 = tpu.memref_slice %arg6[%dma_start3A_256, %dma_start3A_257] : memref<1000x128xf32, #tpu.memory_space<vmem_shared>> -> memref<1000x128xf32, #tpu.memory_space<vmem_shared>>
          tpu.enqueue_indirect_dma source(%dma_start3A_258 : memref<1000x128xf32, #tpu.memory_space<vmem_shared>>) target(%dma_start3A_252 : memref<100x128xf32, #tpu.memory_space<vmem>>) offsets(%dma_start3A_255 : memref<100xi32, #tpu.memory_space<vmem>>) semaphore(%arg11 : memref<!tpu.dma_semaphore, #tpu.memory_space<semaphore_mem>>)
        } else {
        }
      } else {
      }
      %parallel_loop3A = arith.constant 0 : i32
      %parallel_loop3A_152 = arith.constant 200 : i32
      %parallel_loop3A_153 = arith.constant 1 : i32
      scf.for %parallel_loop3A_169 = %parallel_loop3A to %parallel_loop3A_152 step %parallel_loop3A_153  : i32 {
        %parallel_loop3A_170 = arith.index_cast %parallel_loop3A_169 : i32 to index
        %parallel_loop3A_171 = arith.constant 0 : index
        %parallel_loop3A_172 = tpu.vector_load %arg7[%parallel_loop3A_170, %parallel_loop3A_171] {strides = array<i32>} : memref<200x128xf32, #tpu.memory_space<vmem>>, vector<1x16xf32>,
        %parallel_loop3A_173 = vector.shape_cast %parallel_loop3A_172 : vector<1x16xf32> to vector<16xf32>
        %parallel_loop3A_174 = arith.index_cast %select_n3A_98 : i32 to index
        %parallel_loop3A_175 = arith.index_cast %parallel_loop3A_169 : i32 to index
        %parallel_loop3A_176 = arith.constant 0 : index
        %parallel_loop3A_177 = tpu.vector_load %arg9[%parallel_loop3A_174, %parallel_loop3A_175, %parallel_loop3A_176] {strides = array<i32>} : memref<3x200x128xf32, #tpu.memory_space<vmem>>, vector<1x1x16xf32>,
        %parallel_loop3A_178 = vector.shape_cast %parallel_loop3A_177 : vector<1x1x16xf32> to vector<16xf32>
        %parallel_loop3A_179 = vector.shape_cast %parallel_loop3A_173 : vector<16xf32> to vector<1x1x16xf32>
        tpu.vector_store %arg9[%parallel_loop3A_174, %parallel_loop3A_175, %parallel_loop3A_176], %parallel_loop3A_179 {add = true, strides = array<i32>} : memref<3x200x128xf32, #tpu.memory_space<vmem>>, vector<1x1x16xf32>,
        %parallel_loop3A_180 = arith.index_cast %parallel_loop3A_169 : i32 to index
        %parallel_loop3A_181 = arith.constant 16 : index
        %parallel_loop3A_182 = tpu.vector_load %arg7[%parallel_loop3A_180, %parallel_loop3A_181] {strides = array<i32>} : memref<200x128xf32, #tpu.memory_space<vmem>>, vector<1x16xf32>,
        %parallel_loop3A_183 = vector.shape_cast %parallel_loop3A_182 : vector<1x16xf32> to vector<16xf32>
        %parallel_loop3A_184 = arith.index_cast %select_n3A_98 : i32 to index
        %parallel_loop3A_185 = arith.index_cast %parallel_loop3A_169 : i32 to index
        %parallel_loop3A_186 = arith.constant 16 : index
        %parallel_loop3A_187 = tpu.vector_load %arg9[%parallel_loop3A_184, %parallel_loop3A_185, %parallel_loop3A_186] {strides = array<i32>} : memref<3x200x128xf32, #tpu.memory_space<vmem>>, vector<1x1x16xf32>,
        %parallel_loop3A_188 = vector.shape_cast %parallel_loop3A_187 : vector<1x1x16xf32> to vector<16xf32>
        %parallel_loop3A_189 = vector.shape_cast %parallel_loop3A_183 : vector<16xf32> to vector<1x1x16xf32>
        tpu.vector_store %arg9[%parallel_loop3A_184, %parallel_loop3A_185, %parallel_loop3A_186], %parallel_loop3A_189 {add = true, strides = array<i32>} : memref<3x200x128xf32, #tpu.memory_space<vmem>>, vector<1x1x16xf32>,
        %parallel_loop3A_190 = arith.index_cast %parallel_loop3A_169 : i32 to index
        %parallel_loop3A_191 = arith.constant 32 : index
        %parallel_loop3A_192 = tpu.vector_load %arg7[%parallel_loop3A_190, %parallel_loop3A_191] {strides = array<i32>} : memref<200x128xf32, #tpu.memory_space<vmem>>, vector<1x16xf32>,
        %parallel_loop3A_193 = vector.shape_cast %parallel_loop3A_192 : vector<1x16xf32> to vector<16xf32>
        %parallel_loop3A_194 = arith.index_cast %select_n3A_98 : i32 to index
        %parallel_loop3A_195 = arith.index_cast %parallel_loop3A_169 : i32 to index
        %parallel_loop3A_196 = arith.constant 32 : index
        %parallel_loop3A_197 = tpu.vector_load %arg9[%parallel_loop3A_194, %parallel_loop3A_195, %parallel_loop3A_196] {strides = array<i32>} : memref<3x200x128xf32, #tpu.memory_space<vmem>>, vector<1x1x16xf32>,
        %parallel_loop3A_198 = vector.shape_cast %parallel_loop3A_197 : vector<1x1x16xf32> to vector<16xf32>
        %parallel_loop3A_199 = vector.shape_cast %parallel_loop3A_193 : vector<16xf32> to vector<1x1x16xf32>
        tpu.vector_store %arg9[%parallel_loop3A_194, %parallel_loop3A_195, %parallel_loop3A_196], %parallel_loop3A_199 {add = true, strides = array<i32>} : memref<3x200x128xf32, #tpu.memory_space<vmem>>, vector<1x1x16xf32>,
        %parallel_loop3A_200 = arith.index_cast %parallel_loop3A_169 : i32 to index
        %parallel_loop3A_201 = arith.constant 48 : index
        %parallel_loop3A_202 = tpu.vector_load %arg7[%parallel_loop3A_200, %parallel_loop3A_201] {strides = array<i32>} : memref<200x128xf32, #tpu.memory_space<vmem>>, vector<1x16xf32>,
        %parallel_loop3A_203 = vector.shape_cast %parallel_loop3A_202 : vector<1x16xf32> to vector<16xf32>
        %parallel_loop3A_204 = arith.index_cast %select_n3A_98 : i32 to index
        %parallel_loop3A_205 = arith.index_cast %parallel_loop3A_169 : i32 to index
        %parallel_loop3A_206 = arith.constant 48 : index
        %parallel_loop3A_207 = tpu.vector_load %arg9[%parallel_loop3A_204, %parallel_loop3A_205, %parallel_loop3A_206] {strides = array<i32>} : memref<3x200x128xf32, #tpu.memory_space<vmem>>, vector<1x1x16xf32>,
        %parallel_loop3A_208 = vector.shape_cast %parallel_loop3A_207 : vector<1x1x16xf32> to vector<16xf32>
        %parallel_loop3A_209 = vector.shape_cast %parallel_loop3A_203 : vector<16xf32> to vector<1x1x16xf32>
        tpu.vector_store %arg9[%parallel_loop3A_204, %parallel_loop3A_205, %parallel_loop3A_206], %parallel_loop3A_209 {add = true, strides = array<i32>} : memref<3x200x128xf32, #tpu.memory_space<vmem>>, vector<1x1x16xf32>,
        %parallel_loop3A_210 = arith.index_cast %parallel_loop3A_169 : i32 to index
        %parallel_loop3A_211 = arith.constant 64 : index
        %parallel_loop3A_212 = tpu.vector_load %arg7[%parallel_loop3A_210, %parallel_loop3A_211] {strides = array<i32>} : memref<200x128xf32, #tpu.memory_space<vmem>>, vector<1x16xf32>,
        %parallel_loop3A_213 = vector.shape_cast %parallel_loop3A_212 : vector<1x16xf32> to vector<16xf32>
        %parallel_loop3A_214 = arith.index_cast %select_n3A_98 : i32 to index
        %parallel_loop3A_215 = arith.index_cast %parallel_loop3A_169 : i32 to index
        %parallel_loop3A_216 = arith.constant 64 : index
        %parallel_loop3A_217 = tpu.vector_load %arg9[%parallel_loop3A_214, %parallel_loop3A_215, %parallel_loop3A_216] {strides = array<i32>} : memref<3x200x128xf32, #tpu.memory_space<vmem>>, vector<1x1x16xf32>,
        %parallel_loop3A_218 = vector.shape_cast %parallel_loop3A_217 : vector<1x1x16xf32> to vector<16xf32>
        %parallel_loop3A_219 = vector.shape_cast %parallel_loop3A_213 : vector<16xf32> to vector<1x1x16xf32>
        tpu.vector_store %arg9[%parallel_loop3A_214, %parallel_loop3A_215, %parallel_loop3A_216], %parallel_loop3A_219 {add = true, strides = array<i32>} : memref<3x200x128xf32, #tpu.memory_space<vmem>>, vector<1x1x16xf32>,
        %parallel_loop3A_220 = arith.index_cast %parallel_loop3A_169 : i32 to index
        %parallel_loop3A_221 = arith.constant 80 : index
        %parallel_loop3A_222 = tpu.vector_load %arg7[%parallel_loop3A_220, %parallel_loop3A_221] {strides = array<i32>} : memref<200x128xf32, #tpu.memory_space<vmem>>, vector<1x16xf32>,
        %parallel_loop3A_223 = vector.shape_cast %parallel_loop3A_222 : vector<1x16xf32> to vector<16xf32>
        %parallel_loop3A_224 = arith.index_cast %select_n3A_98 : i32 to index
        %parallel_loop3A_225 = arith.index_cast %parallel_loop3A_169 : i32 to index
        %parallel_loop3A_226 = arith.constant 80 : index
        %parallel_loop3A_227 = tpu.vector_load %arg9[%parallel_loop3A_224, %parallel_loop3A_225, %parallel_loop3A_226] {strides = array<i32>} : memref<3x200x128xf32, #tpu.memory_space<vmem>>, vector<1x1x16xf32>,
        %parallel_loop3A_228 = vector.shape_cast %parallel_loop3A_227 : vector<1x1x16xf32> to vector<16xf32>
        %parallel_loop3A_229 = vector.shape_cast %parallel_loop3A_223 : vector<16xf32> to vector<1x1x16xf32>
        tpu.vector_store %arg9[%parallel_loop3A_224, %parallel_loop3A_225, %parallel_loop3A_226], %parallel_loop3A_229 {add = true, strides = array<i32>} : memref<3x200x128xf32, #tpu.memory_space<vmem>>, vector<1x1x16xf32>,
        %parallel_loop3A_230 = arith.index_cast %parallel_loop3A_169 : i32 to index
        %parallel_loop3A_231 = arith.constant 96 : index
        %parallel_loop3A_232 = tpu.vector_load %arg7[%parallel_loop3A_230, %parallel_loop3A_231] {strides = array<i32>} : memref<200x128xf32, #tpu.memory_space<vmem>>, vector<1x16xf32>,
        %parallel_loop3A_233 = vector.shape_cast %parallel_loop3A_232 : vector<1x16xf32> to vector<16xf32>
        %parallel_loop3A_234 = arith.index_cast %select_n3A_98 : i32 to index
        %parallel_loop3A_235 = arith.index_cast %parallel_loop3A_169 : i32 to index
        %parallel_loop3A_236 = arith.constant 96 : index
        %parallel_loop3A_237 = tpu.vector_load %arg9[%parallel_loop3A_234, %parallel_loop3A_235, %parallel_loop3A_236] {strides = array<i32>} : memref<3x200x128xf32, #tpu.memory_space<vmem>>, vector<1x1x16xf32>,
        %parallel_loop3A_238 = vector.shape_cast %parallel_loop3A_237 : vector<1x1x16xf32> to vector<16xf32>
        %parallel_loop3A_239 = vector.shape_cast %parallel_loop3A_233 : vector<16xf32> to vector<1x1x16xf32>
        tpu.vector_store %arg9[%parallel_loop3A_234, %parallel_loop3A_235, %parallel_loop3A_236], %parallel_loop3A_239 {add = true, strides = array<i32>} : memref<3x200x128xf32, #tpu.memory_space<vmem>>, vector<1x1x16xf32>,
        %parallel_loop3A_240 = arith.index_cast %parallel_loop3A_169 : i32 to index
        %parallel_loop3A_241 = arith.constant 112 : index
        %parallel_loop3A_242 = tpu.vector_load %arg7[%parallel_loop3A_240, %parallel_loop3A_241] {strides = array<i32>} : memref<200x128xf32, #tpu.memory_space<vmem>>, vector<1x16xf32>,
        %parallel_loop3A_243 = vector.shape_cast %parallel_loop3A_242 : vector<1x16xf32> to vector<16xf32>
        %parallel_loop3A_244 = arith.index_cast %select_n3A_98 : i32 to index
        %parallel_loop3A_245 = arith.index_cast %parallel_loop3A_169 : i32 to index
        %parallel_loop3A_246 = arith.constant 112 : index
        %parallel_loop3A_247 = tpu.vector_load %arg9[%parallel_loop3A_244, %parallel_loop3A_245, %parallel_loop3A_246] {strides = array<i32>} : memref<3x200x128xf32, #tpu.memory_space<vmem>>, vector<1x1x16xf32>,
        %parallel_loop3A_248 = vector.shape_cast %parallel_loop3A_247 : vector<1x1x16xf32> to vector<16xf32>
        %parallel_loop3A_249 = vector.shape_cast %parallel_loop3A_243 : vector<16xf32> to vector<1x1x16xf32>
        tpu.vector_store %arg9[%parallel_loop3A_244, %parallel_loop3A_245, %parallel_loop3A_246], %parallel_loop3A_249 {add = true, strides = array<i32>} : memref<3x200x128xf32, #tpu.memory_space<vmem>>, vector<1x1x16xf32>,
      } {sc.loop_unroll_factor = 4 : i64, sc.parallel_access}
      %add3A_154 = arith.addi %mul3A_2, %scan3A_87 : i32
      %mul3A_155 = arith.constant 200 : i32
      %mul3A_156 = arith.muli %add3A_154, %mul3A_155 : i32
      %dma_start3A_157 = arith.constant 0 : i32
      %dma_start3A_158 = arith.constant 0 : i32
      %dma_start3A_159 = tpu.memref_slice %arg9[%select_n3A_98, %dma_start3A_157, %dma_start3A_158] : memref<3x200x128xf32, #tpu.memory_space<vmem>> -> memref<1x200x128xf32, #tpu.memory_space<vmem>>
      %dma_start3A_160 = tpu.memref_squeeze %dma_start3A_159 : memref<1x200x128xf32, #tpu.memory_space<vmem>> -> memref<200x128xf32, #tpu.memory_space<vmem>>
      %dma_start3A_161 = arith.constant 0 : i32
      %dma_start3A_162 = tpu.memref_slice %arg5[%mul3A_156, %dma_start3A_161] : memref<204800x128xf32, #tpu.memory_space<hbm>> -> memref<200x128xf32, #tpu.memory_space<hbm>>
      %dma_start3A_163 = arith.constant 0 : i32
      %dma_start3A_164 = tpu.memref_slice %arg5[%mul3A_156, %dma_start3A_163] : memref<204800x128xf32, #tpu.memory_space<hbm>> -> memref<200x128xf32, #tpu.memory_space<hbm>>
      %dma_start3A_165 = arith.constant 0 : i32
      %dma_start3A_166 = arith.constant 0 : i32
      %dma_start3A_167 = tpu.memref_slice %arg9[%select_n3A_98, %dma_start3A_165, %dma_start3A_166] : memref<3x200x128xf32, #tpu.memory_space<vmem>> -> memref<1x200x128xf32, #tpu.memory_space<vmem>>
      %dma_start3A_168 = tpu.memref_squeeze %dma_start3A_167 : memref<1x200x128xf32, #tpu.memory_space<vmem>> -> memref<200x128xf32, #tpu.memory_space<vmem>>
      tpu.enqueue_dma source(%dma_start3A_168 : memref<200x128xf32, #tpu.memory_space<vmem>>) target(%dma_start3A_164 : memref<200x128xf32, #tpu.memory_space<hbm>>) target_semaphore(%arg13 : memref<!tpu.dma_semaphore, #tpu.memory_space<semaphore_mem>>)
    }
    %scan3A_71 = arith.constant 32 : i32
    %dma_wait3A_72 = arith.constant 0 : i32
    %dma_wait3A_73 = arith.constant 0 : i32
    %dma_wait3A_74 = arith.constant 0 : i32
    %dma_wait3A_75 = tpu.memref_slice %arg9[%dma_wait3A_72, %dma_wait3A_73, %dma_wait3A_74] : memref<3x200x128xf32, #tpu.memory_space<vmem>> -> memref<1x200x128xf32, #tpu.memory_space<vmem>>
    %dma_wait3A_76 = tpu.memref_squeeze %dma_wait3A_75 : memref<1x200x128xf32, #tpu.memory_space<vmem>> -> memref<200x128xf32, #tpu.memory_space<vmem>>
    %dma_wait3A_77 = arith.constant 0 : i32
    %dma_wait3A_78 = arith.constant 0 : i32
    %dma_wait3A_79 = tpu.memref_slice %arg5[%dma_wait3A_77, %dma_wait3A_78] : memref<204800x128xf32, #tpu.memory_space<hbm>> -> memref<200x128xf32, #tpu.memory_space<hbm>>
    %dma_wait3A_80 = arith.constant 0 : i32
    %dma_wait3A_81 = arith.constant 0 : i32
    %dma_wait3A_82 = tpu.memref_slice %arg5[%dma_wait3A_80, %dma_wait3A_81] : memref<204800x128xf32, #tpu.memory_space<hbm>> -> memref<200x128xf32, #tpu.memory_space<hbm>>
    %dma_wait3A_83 = arith.constant 0 : i32
    %dma_wait3A_84 = arith.constant 0 : i32
    %dma_wait3A_85 = tpu.memref_slice %arg9[%dma_wait3A_72, %dma_wait3A_83, %dma_wait3A_84] : memref<3x200x128xf32, #tpu.memory_space<vmem>> -> memref<1x200x128xf32, #tpu.memory_space<vmem>>
    %dma_wait3A_86 = tpu.memref_squeeze %dma_wait3A_85 : memref<1x200x128xf32, #tpu.memory_space<vmem>> -> memref<200x128xf32, #tpu.memory_space<vmem>>
    tpu.wait_dma2 semaphore(%arg13 : memref<!tpu.dma_semaphore, #tpu.memory_space<semaphore_mem>>) src(%dma_wait3A_86 : memref<200x128xf32, #tpu.memory_space<vmem>>) dst(%dma_wait3A_82 : memref<200x128xf32, #tpu.memory_space<hbm>>)
    return
  }
}

</mosaic_0001>

<sc_bundles>
// kernel: kernel.3.cloned.1.call-start
scs
__scs_entry_jumppad:
0x0: {  	(pc) =	sbr.rel $0x88, $3  }
0x1: {  	(tag) =	ssettag $0x0;
	lr =	simm.s32 $0x1  }
0x2: {  	[smem:$0x3F9F] =	sst lr;
	_ =	strace $0xD0000000  }
0x3: {  	_ = 	snop  }
0x4: {  	_ = 	snop  }
0x5: {  	_ = 	snop  }
0x6: {  	_ = 	snop  }
0x7: {  	_ = 	snop  }
__scs_overlays_trampoline_lowered:
0x8: {  	[smem:$0x3FAE] =	sst s0  }
0x9: {  	[smem:$0x3FAF] =	sst s1  }
0xa: {  	[smem:$0x3FB0] =	sst s2  }
0xb: {  	[smem:$0x3FB1] =	sst s3  }
0xc: {  	[smem:$0x3FB2] =	sst s4  }
0xd: {  	[smem:$0x3FB3] =	sst s5  }
0xe: {  	[smem:$0x3FB4] =	sst s6  }
0xf: {  	[smem:$0x3FB5] =	sst s7  }
0x10: {  	[smem:$0x3FB6] =	sst s8  }
0x11: {  	[smem:$0x3FB7] =	sst s9;
	s0 =	simm.s32 @!p0 $0x0  }
0x12: {  	s1 =	sld [smem:$0x3F9D];
	s0 =	simm.s32 @p0 $0x1  }
0x13: {  	[smem:$0x3FB8] =	sst s0;
	s0 =	simm.s32 @!p1 $0x0  }
0x14: {  	s2 =	sld [smem:$0x3F9C];
	s0 =	simm.s32 @p1 $0x1  }
0x15: {  	[smem:$0x3FB9] =	sst s0;
	s0 =	simm.s32 @!p2 $0x0  }
0x16: {  	s3 =	sld [smem:$0x3FDB];
	s0 =	simm.s32 @p2 $0x1  }
0x17: {  	s4 =	simm.s32 $0x1BF5;
	[smem:$0x3FBB] =	sst s0  }
0x18: {  	s0 =	sld [smem:$0x3F9E];
	_ =	swait.ge [sflag:s4], $0x0  }
0x19: {  	s7 =	sld [smem:$0x3F9F]  }
0x1a: {  	s8 =	sadd.s32 $0xFFFFE003, lr  }
0x1b: {  	s9 =	sadd.s32 $0xFFFFFEF7, lr;
	s5 =	simm.s32 $0xFFFFFFFF;
	p2 =	slt.u32 s8, $0xFFFFF086  }
0x1c: {  	p1 =	slt.u32 s9, $0xF7A;
	s5 =	simm.s32 @!p2 $0x0  }
0x1d: {  	s5 =	simm.s32 @p1 $0x1;
	p0 =	seq.s32 s7, s2  }
0x1e: {  	s7 =	smul.u32 @!p0 $0xF7A, s2;
	p2 =	seq.s32 @!p0 s5, $0x0  }
0x1f: {  	s9 =	smul.u32 $0xF7A, s1;
	s8 =	simm.s32 @!p0 $0x1BF5;
	p2 =	por !p2, p0  }
0x20: {  	[sflag:s8] =	ssyncset.s32 @!p0 $0xFFFFF086;
	s6 =	sadd.s32 @!p0 s3, s7;
	s7 =	simm.s32 @!p0 $0x108  }
0x21: {  	s3 =	sadd.s32 s3, s9;
	s6 =	sadd.s32 @!p0 $0x88, s6;
	s7 =	simm.s32 @p2 $0x1082  }
0x22: {  	[simem:s7], [sflag:s8] =	dma.local @!p0 [hbm:s6], $0xF7A  }
0x23: {  	s9 =	sor.u32 $0xD0000000, s2;
	s6 =	simm.s32 $0x108;
	_ =	swait.ge @!p0 [sflag:s8], $0x0  }
0x24: {  	s3 =	sadd.s32 $0x88, s3;
	s6 =	simm.s32 @!p1 $0x1082;
	[sflag:s4] =	ssyncset.s32 $0xFFFFF086  }
0x25: {  	[simem:s6], [sflag:s4] =	dma.local [hbm:s3], $0xF7A  }
0x26: {  	[smem:$0x3F9F] =	sst s1;
	(tag) =	ssettag s2;
	_ =	strace s9  }
0x27: {  	s1 =	sld [smem:$0x3FAF]  }
0x28: {  	s2 =	sld [smem:$0x3FB0]  }
0x29: {  	s4 =	sld [smem:$0x3FB2]  }
0x2a: {  	p0 =	seq.s32 s5, $0x0;
	s5 =	sld [smem:$0x3FB3]  }
0x2b: {  	s6 =	sld [smem:$0x3FB4]  }
0x2c: {  	s7 =	sld [smem:$0x3FB5]  }
0x2d: {  	s3 =	simm.s32 $0x108;
	s8 =	sld [smem:$0x3FB6]  }
0x2e: {  	s3 =	simm.s32 @!p0 $0x1082;
	s9 =	sld [smem:$0x3FB7]  }
0x2f: {  	lr =	sadd.s32 s0, s3;
	s0 =	sld [smem:$0x3FAE]  }
0x30: {  	s3 =	sld [smem:$0x3FB1]  }
0x31: {  	[smem:$0x3FBA] =	sst s10  }
0x32: {  	s10 =	sld [smem:$0x3FB8];
	_ =	sdelay $0x3  }
0x33: {  	p0 =	seq.s32 s10, $0x1;
	s10 =	sld [smem:$0x3FBA];
	_ =	sdelay $0x3  }
0x34: {  	[smem:$0x3FBA] =	sst s10  }
0x35: {  	s10 =	sld [smem:$0x3FB9];
	_ =	sdelay $0x3  }
0x36: {  	p1 =	seq.s32 s10, $0x1;
	s10 =	sld [smem:$0x3FBA];
	_ =	sdelay $0x3  }
0x37: {  	[smem:$0x3FBA] =	sst s10  }
0x38: {  	s10 =	sld [smem:$0x3FBB]  }
0x39: {  	_ = 	snop;
	(pc) =	sbr.ind lr, $3  }
0x3a: {  	_ = 	snop  }
0x3b: {  	_ = 	snop  }
0x3c: {  	p2 =	seq.s32 s10, $0x1;
	s10 =	sld [smem:$0x3FBA]  }
0x3d: {  	_ =	shalt  }
0x3e: {  	_ =	shalt  }
0x3f: {  	_ =	shalt  }
0x40: {  	_ =	shalt  }
0x41: {  	_ =	shalt  }
0x42: {  	_ =	shalt  }
0x43: {  	_ =	shalt  }
0x44: {  	_ =	shalt  }
0x45: {  	_ =	shalt  }
0x46: {  	_ =	shalt  }
0x47: {  	_ =	shalt  }
0x48: {  	_ =	shalt  }
0x49: {  	_ =	shalt  }
0x4a: {  	_ =	shalt  }
0x4b: {  	_ =	shalt  }
0x4c: {  	_ =	shalt  }
0x4d: {  	_ =	shalt  }
0x4e: {  	_ =	shalt  }
0x4f: {  	_ =	shalt  }
0x50: {  	_ =	shalt  }
0x51: {  	_ =	shalt  }
0x52: {  	_ =	shalt  }
0x53: {  	_ =	shalt  }
0x54: {  	_ =	shalt  }
0x55: {  	_ =	shalt  }
0x56: {  	_ =	shalt  }
0x57: {  	_ =	shalt  }
0x58: {  	_ =	shalt  }
0x59: {  	_ =	shalt  }
0x5a: {  	_ =	shalt  }
0x5b: {  	_ =	shalt  }
0x5c: {  	_ =	shalt  }
0x5d: {  	_ =	shalt  }
0x5e: {  	_ =	shalt  }
0x5f: {  	_ =	shalt  }
0x60: {  	_ =	shalt  }
0x61: {  	_ =	shalt  }
0x62: {  	_ =	shalt  }
0x63: {  	_ =	shalt  }
0x64: {  	_ =	shalt  }
0x65: {  	_ =	shalt  }
0x66: {  	_ =	shalt  }
0x67: {  	_ =	shalt  }
0x68: {  	_ =	shalt  }
0x69: {  	_ =	shalt  }
0x6a: {  	_ =	shalt  }
0x6b: {  	_ =	shalt  }
0x6c: {  	_ =	shalt  }
0x6d: {  	_ =	shalt  }
0x6e: {  	_ =	shalt  }
0x6f: {  	_ =	shalt  }
0x70: {  	_ =	shalt  }
0x71: {  	_ =	shalt  }
0x72: {  	_ =	shalt  }
0x73: {  	_ =	shalt  }
0x74: {  	_ =	shalt  }
0x75: {  	_ =	shalt  }
0x76: {  	_ =	shalt  }
0x77: {  	_ =	shalt  }
0x78: {  	_ =	shalt  }
0x79: {  	_ =	shalt  }
0x7a: {  	_ =	shalt  }
0x7b: {  	_ =	shalt  }
0x7c: {  	_ =	shalt  }
0x7d: {  	_ =	shalt  }
0x7e: {  	_ =	shalt  }
0x7f: {  	_ =	shalt  }
0x80: {  	_ =	shalt  }
0x81: {  	_ =	shalt  }
0x82: {  	_ =	shalt  }
0x83: {  	_ =	shalt  }
0x84: {  	_ =	shalt  }
0x85: {  	_ =	shalt  }
0x86: {  	_ =	shalt  }
0x87: {  	_ =	shalt  }
.Lfunc_end0:
.L_simem_size_0:
called_computation_lowered:
.L_overlay_start_0:
0x88: {  	s2 =	sld [smem:$0x3FD9]  }
0x89: {  	s3 =	sld [smem:$0x3FFE];
	_ =	sdelay $0x1  }
0x8a: {  	s1 =	srdreg.scid  }
0x8b: {  	s0 =	sand.u32 $0x1, s1  }
0x8c: {  	s17 =	sshll.u32 s0, $0xA;
	s2 =	sadd.s32 s3, s2  }
0x8d: {  	s2 =	sadd.s32 s2, s17  }
0x8e: {  	[smem:$0x3FC6] =	sst s2  }
0x8f: {  	_ = 	snop  }
0x90: {  	s2 =	sld [smem:$0x3FC8]  }
0x91: {  	s18 =	sld [smem:$0x3FD0];
	(tm) =	ssettm $0x1  }
0x92: {  	s4 =	sld [smem:$0x3FFB];
	_ =	sdelay $0x3  }
0x93: {  	_ =	strace s4  }
0x94: {  	s4 =	sld [smem:$0x3FFC];
	_ =	sdelay $0x3  }
0x95: {  	_ =	strace s4  }
0x96: {  	s4 =	sld [smem:$0x3FFD];
	_ =	sdelay $0x3  }
0x97: {  	_ =	strace s4  }
0x98: {  	_ =	strace $0x8FFFFFFF  }
0x99: {  	s19 =	sld [smem:$0x3FDB];
	_ =	sdelay $0x1  }
0x9a: {  	s5 =	simm.s32 $_scs_section_size  }
0x9b: {  	s6 =	simm.s32 $_size__tile_overlayer_lowered;
	s7 =	simm.s32 $_tile_overlayer_lowered  }
0x9c: {  	s22 =	simm.s32 $0x1BFF;
	s21 =	sshll.u32 s7, $0x1;
	s4 =	sadd.s32 s5, s19  }
0x9d: {  	s8 =	simm.s32 $0x0;
	s20 =	sshll.u32 s6, $0x1;
	s6 =	sadd.s32 s21, s4  }
0x9e: {  	[timem:s8], [sflag:s22] =	dma.local [hbm:s6], s20  }
0x9f: {  	_ =	swait.ge [sflag:s22], s20  }
0xa0: {  	s5 =	ssub.s32 $0x0, s20;
	[sflag:s22] =	ssyncset.done $0x0  }
0xa1: {  	[sflag:s22] =	ssyncadd.s32 s5;
	_ =	sdelay $0x1  }
0xa2: {  	s23 =	simm.s32 $0x1B8B  }
0xa3: {  	_ =	swait.ge [sflag:s23], $0x1  }
0xa4: {  	[sflag:s23] =	ssyncset.done $0x0  }
0xa5: {  	s25 =	simm.s32 $0x1B8E;
	s24 =	sld [smem:$0x3FFE];
	[sflag:s23] =	ssyncadd.s32 $0xFFFFFFFF  }
0xa6: {  	s26 =	simm.s32 $execute0_lowered;
	[smem:$0x3FD2] =	sst s25  }
0xa7: {  	s6 =	sshll.u32 s26, $0x1;
	_ =	strace $0x80000046;
	[dreg:$0x1] =	wrdreg $0xFFFFFFFF  }
0xa8: {  	s28 =	simm.s32 $_size_execute0_lowered;
	s4 =	sadd.s32 s4, s6;
	[dreg:$0x0] =	wrdreg $0x0  }
0xa9: {  	s6 =	sshll.u32 s28, $0x1;
	[dreg:$0x2] =	wrdreg s4  }
0xaa: {  	[dreg:$0x3] =	wrdreg s6  }
0xab: {  	[dreg:$0x4] =	wrdreg $0xC0  }
0xac: {  	_ =	task [dreg:s8], $0x5FFFF  }
0xad: {  	[dreg:$0x1] =	wrdreg $0xFFFFFFFF  }
0xae: {  	[dreg:$0x0] =	wrdreg $0x60  }
0xaf: {  	[dreg:$0x2] =	wrdreg s2  }
0xb0: {  	[dreg:$0x3] =	wrdreg s24  }
0xb1: {  	[dreg:$0x4] =	wrdreg s18  }
0xb2: {  	[dreg:$0x5] =	wrdreg $0x0  }
0xb3: {  	[dreg:$0x6] =	wrdreg $0x9  }
0xb4: {  	_ =	task.clear_ibuf [dreg:s8], $0x7FFFF;
	_ =	strace $0x90000046  }
0xb5: {  	s29 =	simm.s32 $0x9;
	_ =	strace $0x80000048  }
0xb6: {  	_ =	swait.ge [sflag:s29], $0x1  }
0xb7: {  	[sflag:s29] =	ssyncadd.s32 $0xFFFFFFFF  }
0xb8: {  	_ =	strace $0x90000048  }
0xb9: {  	_ =	sfence  }
0xba: {  	s30 =	sld [smem:$0x0];
	_ =	sdelay $0x2  }
0xbb: {  	s31 =	sshll.u32 s1, $0xD;
	s1 =	sshrl.u32 s1, $0x2  }
0xbc: {  	s3 =	sand.u32 $0x4000, s31;
	s1 =	sadd.s32 s1, s30  }
0xbd: {  	s0 =	sor.u32 s3, s0;
	s1 =	sshll.u32 s1, $0x11  }
0xbe: {  	s0 =	sor.u32 s1, s0  }
0xbf: {  	s0 =	sadd.s32 $0x8F2B, s0  }
0xc0: {  	[sflag:s0] =	ssyncadd.remote.s32 $0x1  }
0xc1: {  	_ =	sfence.sel $0xFFFF  }
0xc2: {  	[dreg:$0x0] =	wrdreg $0xFFFFFFFF;
	(pc) =	sbr.abs _section_cstart, $3  }
0xc3: {  	[dreg:$0x1] =	wrdreg $0xFFFFFFFF  }
0xc4: {  	_ =	task.clear_ibuf [dreg:s8], $0x2FFFF;
	_ =	strace $0x9FFFFFFF  }
0xc5: {  	(tm) =	ssettm $0x7FFFFFFF  }
tec
execute0_lowered:
.L_overlay_start_1:
0x0: {  	(tag) =	ssettag $0x1  }
0x1: {  	s0 =	rddreg [dreg:$0x0]  }
0x2: {  	s1 =	rddreg [dreg:$0x1]  }
0x3: {  	s2 =	rddreg [dreg:$0x2]  }
0x4: {  	s3 =	rddreg [dreg:$0x3];
	s5 =	srdreg.scid  }
0x5: {  	s12 =	stileid.u32;
	s4 =	simm.s32 $0x0;
	s14 =	simm.s32 $0x8340  }
0x6: {  	s16 =	simm.s32 $0x5;
	s17 =	simm.s32 $0x3;
	s18 =	simm.s32 $0x64  }
0x7: {  	s22 =	simm.s32 $0x10740;
	s23 =	simm.s32 $0x84C0;
	s24 =	simm.s32 $0x13940  }
0x8: {  	s25 =	simm.s32 $0x4;
	s26 =	simm.s32 $0x2;
	s28 =	simm.s32 $0x0  }
0x9: {  	s5 =	sand.u32 $0x1, s5;
	s6 =	sshll.u32 s12, $0x1;
	[smem:$0x7FF] =	sst s4  }
0xa: {  	s11 =	sadd.s32 $0x1C000, s3;
	s31 =	sshll.u32 s12, $0xE;
	s10 =	sshll.u32 s12, $0xB  }
0xb: {  	p0 =	sgt.u32 s12, $0x6;
	s6 =	sor.u32 s5, s6;
	s7 =	ssub.s32 $0x2, s5  }
0xc: {  	_ =	strace $0x80000047;
	s5 =	sadd.s32 $0x8400, s1;
	s13 =	sadd.s32 s31, s3  }
0xd: {  	p1 =	sne.s32 @p0 s12, $0x7;
	s29 =	sshll.u32 s6, $0xA;
	s8 =	sshrl.u32 s7, $0x1  }
0xe: {  	s6 =	sshll.u32 s6, $0x5;
	p1 =	por p1, !p0;
	s13 =	sshrl.u32 @!p0 s13, $0x3  }
0xf: {  	s9 =	sadd.s32 s29, s1;
	s30 =	ssub.s32 s7, s8;
	s7 =	sadd.s32 $0x3800, s0  }
0x10: {  	s8 =	sadd.s32 s0, s10;
	s0 =	sshll.u32 @!p0 s12, $0x6;
	s11 =	sshrl.u32 @!p1 s11, $0x3  }
0x11: {  	s9 =	sadd.s32 $0x400, s9;
	s10 =	smax.u32 s30, $0x1;
	s12 =	sor.u32 @!p0 $0x1C05, s0  }
.LBB2_1:
0x12: {  	s0 =	simm.s32 @!p1 $0x1DC5  }
0x13: {  	[spmem:s11], [sflag:s0] =	dma.local @!p1 [hbm:s7], $0x680  }
0x14: {  	s0 =	simm.s32 @!p1 $0x5  }
0x15: {  	_ =	swait.ge @!p1 [sflag:s0], $0x680  }
0x16: {  	[sflag:s0] =	ssyncset.done @!p1 $0x0  }
0x17: {  	[sflag:s0] =	ssyncadd.s32 @!p1 $0xFFFFF980;
	s0 =	simm.s32 @!p0 $0x5  }
0x18: {  	[spmem:s13], [sflag:s12] =	dma.local @!p0 [hbm:s8], $0x800  }
0x19: {  	_ =	swait.ge @!p0 [sflag:s0], $0x800  }
0x1a: {  	[sflag:s0] =	ssyncset.done @!p0 $0x0  }
0x1b: {  	[sflag:s0] =	ssyncadd.s32 @!p0 $0xFFFFF800  }
0x1c: {  	[tilespmem:s14], [sflag:$0x3] =	stream.linear.gather [hbm4b:s9+s4], $0x2000, $0x38;
	[tilespmem:$0x1CF40] =	vst v63  }
0x1d: {  	s20 =	simm.s32 $0x1F40  }
0x1e: {  	[tilespmem:s20], [sflag:$0x5] =	stream.linear.gather [hbm4b:s5+s4], $0x6400, $0x38;
	[tilespmem:$0x1CF40] =	vst v63  }
0x1f: {  	_ =	swait.ge [sflag:s16], $0x6400  }
0x20: {  	[sflag:s16] =	ssyncset.done $0x0  }
0x21: {  	[sflag:s16] =	ssyncadd.s32 $0xFFFF9C00  }
0x22: {  	_ =	swait.ge [sflag:s17], $0x2000  }
0x23: {  	[sflag:s17] =	ssyncset.done $0x0  }
0x24: {  	[sflag:s17] =	ssyncadd.s32 $0xFFFFE000  }
0x25: {  	s29 =	simm.s32 $0xA340;
	[bflag:$0x0] =	sbarrier.arrive $0xFFFF  }
0x26: {  	[tilespmem:s29], [sflag:$0x1] =	stream.indirect.gather [spmem:s3], $0x80, s14, s18, $0xb8;
	[tilespmem:$0x1CF40] =	vst v63  }
0x27: {  	s21 =	simm.s32 $0x83C0;
	s1 =	simm.s32 $0xD540  }
0x28: {  	[tilespmem:s1], [sflag:$0x1] =	stream.indirect.gather [spmem:s3], $0x80, s21, s18, $0xb8;
	[tilespmem:$0x1CF40] =	vst v63  }
0x29: {  	s31 =	simm.s32 $0x8440  }
0x2a: {  	[tilespmem:s22], [sflag:$0x2] =	stream.indirect.gather [spmem:s3], $0x80, s31, s18, $0xb8;
	[tilespmem:$0x1CF40] =	vst v63  }
0x2b: {  	s30 =	simm.s32 $0x0  }
0x2c: {  	[tilespmem:s24], [sflag:$0x2] =	stream.indirect.gather [spmem:s3], $0x80, s23, s18, $0xb8;
	[tilespmem:$0x1CF40] =	vst v63  }
.LBB2_2:
0x2d: {  	s0 =	sand.u32 $0x1, s30  }
0x2e: {  	p2 =	seq.s32 s0, $0x0  }
.Ltmp0:
0x2f: {  	_ = 	snop;
	(pc) =	sbr.rel @!p2 .LBB2_3-.Ltmp0, $1  }
0x30: {  	_ =	sdelay $0x3  }
0x31: {  	s0 =	simm.s32 $0x1  }
0x32: {  	p3 =	seq.s32 s30, $0x0;
	_ =	swait.ge [sflag:s0], $0x3200  }
.Ltmp1:
0x33: {  	[sflag:s0] =	ssyncset.done $0x0;
	(pc) =	sbr.rel @!p3 .LBB2_4-.Ltmp1, $4  }
0x34: {  	[sflag:s0] =	ssyncadd.s32 $0xFFFFCE00  }
0x35: {  	_ =	swait.ge [sflag:s0], $0x3200  }
0x36: {  	[sflag:s0] =	ssyncset.done $0x0  }
0x37: {  	[sflag:s0] =	ssyncadd.s32 $0xFFFFCE00  }
.Ltmp2:
0x38: {  	(pc) =	sbr.rel .LBB2_8-.Ltmp2, $2  }
0x39: {  	_ =	sdelay $0x2  }
0x3a: {  	s1 =	simm.s32 $0x800;
	s15 =	simm.s32 $0x32000  }
.LBB2_3:
0x3b: {  	_ =	swait.ge [sflag:s26], $0x3200  }
0x3c: {  	[sflag:s26] =	ssyncset.done $0x0  }
0x3d: {  	[sflag:s26] =	ssyncadd.s32 $0xFFFFCE00  }
0x3e: {  	_ =	swait.ge [sflag:s26], $0x3200  }
0x3f: {  	[sflag:s26] =	ssyncset.done $0x0  }
0x40: {  	[sflag:s26] =	ssyncadd.s32 $0xFFFFCE00  }
.LBB2_4:
0x41: {  	p3 =	sgt.u32 s30, $0x1D  }
.Ltmp3:
0x42: {  	_ = 	snop;
	(pc) =	sbr.rel @p3 .LBB2_9-.Ltmp3, $4  }
0x43: {  	_ = 	snop  }
0x44: {  	_ =	swait.ge [sflag:s25], $0x6400  }
0x45: {  	[sflag:s25] =	ssyncset.done $0x0  }
0x46: {  	[sflag:s25] =	ssyncadd.s32 $0xFFFF9C00  }
0x47: {  	s1 =	sadd.s32 $0x2, s30  }
0x48: {  	s0 =	smul.u32 $0xAB, s1;
	_ =	sdelay $0x1  }
0x49: {  	s0 =	sshrl.u32 s0, $0x9  }
0x4a: {  	s0 =	sand.u32 $0x7F, s0  }
0x4b: {  	s0 =	smul.u32 $0x3, s0;
	_ =	sdelay $0x1  }
0x4c: {  	s0 =	ssub.s32 s1, s0  }
0x4d: {  	s15 =	sand.u32 $0xFF, s0;
	s0 =	simm.s32 $0x1  }
0x4e: {  	s1 =	sshll.u32 s1, $0xA;
	s0 =	simm.s32 @!p2 $0x2;
	s15 =	smul.u32 $0x19000, s15  }
.LBB2_8:
0x4f: {  	_ = 	snop  }
0x50: {  	s1 =	sshrl.u32 s1, $0x2;
	s15 =	sshrl.u32 s15, $0x2  }
0x51: {  	s20 =	sadd.s32 $0x8340, s1;
	s19 =	sadd.s32 $0xA340, s15  }
0x52: {  	[tilespmem:s19], [sflag:s0] =	stream.indirect.gather [spmem:s3], $0x80, s20, s18, $0xb8;
	[tilespmem:$0x1CF40] =	vst v63  }
0x53: {  	s1 =	sadd.s32 $0x83C0, s1;
	s15 =	sadd.s32 $0xD540, s15  }
0x54: {  	[tilespmem:s15], [sflag:s0] =	stream.indirect.gather [spmem:s3], $0x80, s1, s18, $0xb8;
	[tilespmem:$0x1CF40] =	vst v63  }
.LBB2_9:
0x55: {  	s0 =	smulhi.u32 $0xAAAAAAAB, s30;
	_ =	sdelay $0x1  }
0x56: {  	s31 =	simm.s32 $0x0;
	s0 =	sshrl.u32 s0, $0x1  }
0x57: {  	v0 =	vld [tilespmem:s31+$0x20C0];
	s0 =	smul.u32 $0xFFFB5000, s0  }
0x58: {  	v1 =	vld [tilespmem:s31+$0x1F40]  }
0x59: {  	v2 =	vld [tilespmem:s31+$0x1FC0];
	s0 =	sshra.s32 s0, $0x2  }
0x5a: {  	s1 =	sadd.s32 s0, s29  }
0x5b: {  	v3 =	vld [tilespmem:s31+$0x2040];
	s0 =	sadd.s32 $0x0, s1  }
0x5c: {  	[tilespmem:s0+$0x180] =	vst.add.f32.msk $0xffff, v0  }
0x5d: {  	[tilespmem:s0+$0x0] =	vst.add.f32.msk $0xffff, v1  }
0x5e: {  	[tilespmem:s0+$0x80] =	vst.add.f32.msk $0xffff, v2  }
0x5f: {  	v0 =	vld [tilespmem:s31+$0x20D0]  }
0x60: {  	v1 =	vld [tilespmem:s31+$0x1F50]  }
0x61: {  	v2 =	vld [tilespmem:s31+$0x1FD0]  }
0x62: {  	[tilespmem:s0+$0x100] =	vst.add.f32.msk $0xffff, v3  }
0x63: {  	v3 =	vld [tilespmem:s31+$0x2050]  }
0x64: {  	[tilespmem:s0+$0x190] =	vst.add.f32.msk $0xffff, v0  }
0x65: {  	[tilespmem:s0+$0x10] =	vst.add.f32.msk $0xffff, v1  }
0x66: {  	[tilespmem:s0+$0x90] =	vst.add.f32.msk $0xffff, v2  }
0x67: {  	v0 =	vld [tilespmem:s31+$0x20E0]  }
0x68: {  	v1 =	vld [tilespmem:s31+$0x1F60]  }
0x69: {  	v2 =	vld [tilespmem:s31+$0x1FE0]  }
0x6a: {  	[tilespmem:s0+$0x110] =	vst.add.f32.msk $0xffff, v3  }
0x6b: {  	v3 =	vld [tilespmem:s31+$0x2060]  }
0x6c: {  	[tilespmem:s0+$0x1A0] =	vst.add.f32.msk $0xffff, v0  }
0x6d: {  	[tilespmem:s0+$0x20] =	vst.add.f32.msk $0xffff, v1  }
0x6e: {  	[tilespmem:s0+$0xA0] =	vst.add.f32.msk $0xffff, v2  }
0x6f: {  	v0 =	vld [tilespmem:s31+$0x20F0]  }
0x70: {  	v1 =	vld [tilespmem:s31+$0x1F70]  }
0x71: {  	[tilespmem:s0+$0x120] =	vst.add.f32.msk $0xffff, v3  }
0x72: {  	v2 =	vld [tilespmem:s31+$0x1FF0]  }
0x73: {  	v3 =	vld [tilespmem:s31+$0x2070]  }
0x74: {  	[tilespmem:s0+$0x1B0] =	vst.add.f32.msk $0xffff, v0  }
0x75: {  	[tilespmem:s0+$0x30] =	vst.add.f32.msk $0xffff, v1  }
0x76: {  	v0 =	vld [tilespmem:s31+$0x2100]  }
0x77: {  	[tilespmem:s0+$0xB0] =	vst.add.f32.msk $0xffff, v2  }
0x78: {  	[tilespmem:s0+$0x130] =	vst.add.f32.msk $0xffff, v3  }
0x79: {  	v1 =	vld [tilespmem:s31+$0x1F80]  }
0x7a: {  	v2 =	vld [tilespmem:s31+$0x2000]  }
0x7b: {  	[tilespmem:s0+$0x1C0] =	vst.add.f32.msk $0xffff, v0  }
0x7c: {  	v0 =	vld [tilespmem:s31+$0x2110]  }
0x7d: {  	v3 =	vld [tilespmem:s31+$0x2080]  }
0x7e: {  	[tilespmem:s0+$0x40] =	vst.add.f32.msk $0xffff, v1  }
0x7f: {  	[tilespmem:s0+$0xC0] =	vst.add.f32.msk $0xffff, v2  }
0x80: {  	v1 =	vld [tilespmem:s31+$0x2010]  }
0x81: {  	[tilespmem:s0+$0x1D0] =	vst.add.f32.msk $0xffff, v0  }
0x82: {  	v0 =	vld [tilespmem:s31+$0x2120]  }
0x83: {  	[tilespmem:s0+$0x140] =	vst.add.f32.msk $0xffff, v3  }
0x84: {  	v2 =	vld [tilespmem:s31+$0x2090];
	_ =	sdelay $0x1  }
0x85: {  	[tilespmem:s0+$0xD0] =	vst.add.f32.msk $0xffff, v1  }
0x86: {  	[tilespmem:s0+$0x1E0] =	vst.add.f32.msk $0xffff, v0  }
0x87: {  	v0 =	vld [tilespmem:s31+$0x1F90]  }
0x88: {  	[tilespmem:s0+$0x150] =	vst.add.f32.msk $0xffff, v2  }
0x89: {  	s15 =	smul.u32 $0xAB, s30;
	v2 =	vld [tilespmem:s31+$0x2020]  }
0x8a: {  	v4 =	vld [tilespmem:s31+$0x20A0]  }
0x8b: {  	s15 =	sshrl.u32 s15, $0x9;
	v3 =	vld [tilespmem:s31+$0x2130]  }
0x8c: {  	s15 =	sand.u32 $0x7F, s15;
	[tilespmem:s0+$0x50] =	vst.add.f32.msk $0xffff, v0  }
0x8d: {  	s15 =	smul.u32 $0x3, s15;
	v0 =	vld [tilespmem:s31+$0x1FA0];
	_ =	sdelay $0x1  }
0x8e: {  	s15 =	ssub.s32 s30, s15;
	[tilespmem:s0+$0xE0] =	vst.add.f32.msk $0xffff, v2  }
0x8f: {  	s15 =	sand.u32 $0xFF, s15;
	[tilespmem:s0+$0x160] =	vst.add.f32.msk $0xffff, v4  }
0x90: {  	s15 =	smul.u32 $0x19000, s15;
	[tilespmem:s0+$0x1F0] =	vst.add.f32.msk $0xffff, v3  }
0x91: {  	[tilespmem:s0+$0x60] =	vst.add.f32.msk $0xffff, v0  }
0x92: {  	s15 =	sshrl.u32 s15, $0x2;
	v0 =	vld [tilespmem:s31+$0x2030]  }
0x93: {  	s19 =	simm.s32 $0x0;
	s20 =	simm.s32 $0x800;
	s15 =	sadd.s32 $0xA340, s15;
	v1 =	vld [tilespmem:s31+$0x1FB0]  }
.LBB2_10:
0x94: {  	s19 =	sadd.s32 $0x4, s19;
	v2 =	vld [tilespmem:s31+$0x20B0];
	s31 =	sshra.s32 s20, $0x2  }
0x95: {  	v3 =	vld [tilespmem:s31+$0x20C0];
	p2 =	slt.u32 s19, $0xC4  }
0x96: {  	v4 =	vld [tilespmem:s31+$0x1F40]  }
0x97: {  	v5 =	vld [tilespmem:s31+$0x1FC0]  }
0x98: {  	v6 =	vld [tilespmem:s31+$0x2040]  }
0x99: {  	s21 =	sadd.s32 s31, s1;
	[tilespmem:s0+$0x70] =	vst.add.f32.msk $0xffff, v1  }
0x9a: {  	[tilespmem:s21+$0x180] =	vst.add.f32.msk $0xffff, v3  }
0x9b: {  	v1 =	vld [tilespmem:s31+$0x20D0]  }
0x9c: {  	[tilespmem:s21+$0x0] =	vst.add.f32.msk $0xffff, v4  }
0x9d: {  	[tilespmem:s21+$0x80] =	vst.add.f32.msk $0xffff, v5  }
0x9e: {  	[tilespmem:s21+$0x100] =	vst.add.f32.msk $0xffff, v6  }
0x9f: {  	v3 =	vld [tilespmem:s31+$0x1F50]  }
0xa0: {  	[tilespmem:s21+$0x190] =	vst.add.f32.msk $0xffff, v1  }
0xa1: {  	v1 =	vld [tilespmem:s31+$0x20E0]  }
0xa2: {  	v4 =	vld [tilespmem:s31+$0x1FD0]  }
0xa3: {  	v5 =	vld [tilespmem:s31+$0x2050]  }
0xa4: {  	[tilespmem:s21+$0x10] =	vst.add.f32.msk $0xffff, v3  }
0xa5: {  	v3 =	vld [tilespmem:s31+$0x1F60]  }
0xa6: {  	[tilespmem:s21+$0x1A0] =	vst.add.f32.msk $0xffff, v1  }
0xa7: {  	v1 =	vld [tilespmem:s31+$0x20F0]  }
0xa8: {  	[tilespmem:s21+$0x90] =	vst.add.f32.msk $0xffff, v4  }
0xa9: {  	[tilespmem:s21+$0x110] =	vst.add.f32.msk $0xffff, v5  }
0xaa: {  	v4 =	vld [tilespmem:s31+$0x1FE0]  }
0xab: {  	v5 =	vld [tilespmem:s31+$0x2060]  }
0xac: {  	[tilespmem:s21+$0x1B0] =	vst.add.f32.msk $0xffff, v1  }
0xad: {  	v1 =	vld [tilespmem:s31+$0x2100]  }
0xae: {  	[tilespmem:s21+$0x20] =	vst.add.f32.msk $0xffff, v3  }
0xaf: {  	[tilespmem:s21+$0xA0] =	vst.add.f32.msk $0xffff, v4  }
0xb0: {  	[tilespmem:s21+$0x120] =	vst.add.f32.msk $0xffff, v5  }
0xb1: {  	v3 =	vld [tilespmem:s31+$0x1F70]  }
0xb2: {  	[tilespmem:s21+$0x1C0] =	vst.add.f32.msk $0xffff, v1  }
0xb3: {  	v1 =	vld [tilespmem:s31+$0x2110]  }
0xb4: {  	v4 =	vld [tilespmem:s31+$0x1FF0]  }
0xb5: {  	v5 =	vld [tilespmem:s31+$0x2070]  }
0xb6: {  	[tilespmem:s21+$0x30] =	vst.add.f32.msk $0xffff, v3  }
0xb7: {  	v3 =	vld [tilespmem:s31+$0x1F80]  }
0xb8: {  	[tilespmem:s21+$0x1D0] =	vst.add.f32.msk $0xffff, v1  }
0xb9: {  	v1 =	vld [tilespmem:s31+$0x2120]  }
0xba: {  	[tilespmem:s21+$0xB0] =	vst.add.f32.msk $0xffff, v4  }
0xbb: {  	[tilespmem:s21+$0x130] =	vst.add.f32.msk $0xffff, v5  }
0xbc: {  	v4 =	vld [tilespmem:s31+$0x2000]  }
0xbd: {  	v5 =	vld [tilespmem:s31+$0x2080]  }
0xbe: {  	[tilespmem:s21+$0x1E0] =	vst.add.f32.msk $0xffff, v1  }
0xbf: {  	v1 =	vld [tilespmem:s31+$0x2130]  }
0xc0: {  	[tilespmem:s21+$0x40] =	vst.add.f32.msk $0xffff, v3  }
0xc1: {  	[tilespmem:s21+$0xC0] =	vst.add.f32.msk $0xffff, v4  }
0xc2: {  	[tilespmem:s21+$0x140] =	vst.add.f32.msk $0xffff, v5  }
0xc3: {  	v3 =	vld [tilespmem:s31+$0x1F90]  }
0xc4: {  	[tilespmem:s21+$0x1F0] =	vst.add.f32.msk $0xffff, v1  }
0xc5: {  	v1 =	vld [tilespmem:s31+$0x2010]  }
0xc6: {  	v4 =	vld [tilespmem:s31+$0x2090]  }
0xc7: {  	[tilespmem:s0+$0xF0] =	vst.add.f32.msk $0xffff, v0  }
0xc8: {  	[tilespmem:s21+$0x50] =	vst.add.f32.msk $0xffff, v3  }
0xc9: {  	v0 =	vld [tilespmem:s31+$0x1FA0]  }
0xca: {  	[tilespmem:s21+$0xD0] =	vst.add.f32.msk $0xffff, v1  }
0xcb: {  	[tilespmem:s21+$0x150] =	vst.add.f32.msk $0xffff, v4  }
0xcc: {  	v3 =	vld [tilespmem:s31+$0x2020]  }
0xcd: {  	v4 =	vld [tilespmem:s31+$0x20A0]  }
0xce: {  	[tilespmem:s21+$0x60] =	vst.add.f32.msk $0xffff, v0  }
.Ltmp4:
0xcf: {  	v1 =	vld [tilespmem:s31+$0x1FB0];
	(pc) =	sbr.rel @p2 .LBB2_10-.Ltmp4, $4  }
0xd0: {  	[tilespmem:s0+$0x170] =	vst.add.f32.msk $0xffff, v2;
	s0 =	smov.u32 s21  }
0xd1: {  	[tilespmem:s0+$0xE0] =	vst.add.f32.msk $0xffff, v3  }
0xd2: {  	[tilespmem:s0+$0x160] =	vst.add.f32.msk $0xffff, v4  }
0xd3: {  	s20 =	sadd.s32 $0x800, s20;
	v0 =	vld [tilespmem:s31+$0x2030]  }
0xd4: {  	v2 =	vld [tilespmem:s31+$0x20B0];
	s1 =	sadd.s32 s6, s30;
	s30 =	sadd.s32 $0x1, s30  }
0xd5: {  	p2 =	sne.s32 s30, $0x20  }
.Ltmp5:
0xd6: {  	_ = 	snop;
	(pc) =	sbr.rel @p2 .LBB2_2-.Ltmp5, $4  }
0xd7: {  	[tilespmem:s0+$0x70] =	vst.add.f32.msk $0xffff, v1;
	s1 =	smul.u32 $0xC80, s1  }
0xd8: {  	[tilespmem:s0+$0xF0] =	vst.add.f32.msk $0xffff, v0  }
0xd9: {  	s29 =	sadd.s32 $0x6400, s29;
	s31 =	sadd.s32 s2, s1;
	[tilespmem:s0+$0x170] =	vst.add.f32.msk $0xffff, v2  }
0xda: {  	[hbm4b:s31+s4] =	stream.linear.scatter [tilespmem:s15], [sflag:$0x4], $0x6400, $0x38;
	[tilespmem:$0x1CF40] =	vst v63  }
0xdb: {  	s28 =	sadd.s32 $0x1, s28  }
0xdc: {  	p2 =	sne.s32 s28, s10  }
.Ltmp6:
0xdd: {  	_ = 	snop;
	(pc) =	sbr.rel @p2 .LBB2_1-.Ltmp6, $4  }
0xde: {  	_ = 	snop  }
0xdf: {  	_ =	swait.ge [sflag:s25], $0x6400  }
0xe0: {  	[sflag:s25] =	ssyncset.done $0x0  }
0xe1: {  	[sflag:s25] =	ssyncadd.s32 $0xFFFF9C00  }
0xe2: {  	_ =	sfence.sel $0x180000  }
0xe3: {  	[bflag:$0x0] =	sbarrier.arrive $0xFFFF  }
0xe4: {  	_ =	strace $0x90000047  }
0xe5: {  	s0 =	stileid.u32;
	[bflag:$0x2] =	sbarrier.arrive $0xFFFF  }
0xe6: {  	p0 =	sne.s32 s0, $0x0;
	s0 =	rddreg [dreg:$0x4]  }
0xe7: {  	s0 =	sadd.s32 @!p0 $0x100000, s0  }
0xe8: {  	[sflag:s0] =	ssyncadd.tile.s32 @!p0 $0x1;
	_ =	shalt  }
.Lfunc_end2:
_tile_overlayer_lowered:
.L_overlay_start_2:
0xe9: {  	(tag) =	ssettag $0x2  }
0xea: {  	s0 =	rddreg [dreg:$0x0];
	s2 =	stileid.u32  }
0xeb: {  	s1 =	rddreg [dreg:$0x1];
	p0 =	sne.s32 s2, $0x0  }
0xec: {  	s3 =	rddreg [dreg:$0x2];
	[bflag:$0x3] =	sbarrier.arrive $0xFFFF;
	s2 =	simm.s32 @!p0 $0x1C05  }
0xed: {  	[timem:s3], [sflag:s2] =	dma.local @!p0 [hbm:s0], s1  }
0xee: {  	s0 =	simm.s32 @!p0 $0x5  }
0xef: {  	_ =	swait.ge @!p0 [sflag:s0], s1  }
0xf0: {  	s1 =	ssub.s32 @!p0 $0x0, s1;
	[sflag:s0] =	ssyncset.done @!p0 $0x0  }
0xf1: {  	[sflag:s0] =	ssyncadd.s32 @!p0 s1  }
0xf2: {  	[bflag:$0x3] =	sbarrier.arrive $0xFFFF  }
0xf3: {  	_ =	shalt  }

</sc_bundles>
